<compile_context>
chip_gen: v7x
topology: tpu7x:2x2x1
jax: 0.10.2.dev20260603
libtpu: 0.0.44.dev20260713+nightly
codegen_flags: <defaults>
</compile_context>

<pallas_src>
import functools

import jax
import jax.numpy as jnp
from jax import lax
from jax.experimental import pallas as pl
from jax.experimental.pallas import tpu as pltpu
from jax.experimental.pallas import tpu_sc as plsc

N = 320000
D = 128
S = 256
CHUNK = 128
NCHUNKS = N // CHUNK
NC = 2
NS = 16
NW = NC * NS
BLK = 256
CPB = BLK // CHUNK
NBUF = 3

N_SC = 253440
NBLK = N_SC // BLK
MAX_ITERS = NBUF * (-(-(-(-NBLK // NW)) // NBUF))

R = 2560
G_OFF = N_SC // R
G_TC = (N - N_SC) // R


def _sc_segment_sum(h, seg2d):
    mesh = plsc.VectorSubcoreMesh(core_axis_name="c", subcore_axis_name="s")

    @functools.partial(
        pl.kernel,
        out_type=jax.ShapeDtypeStruct((NC, S, D), jnp.float32),
        mesh=mesh,
        scratch_types=[
            pltpu.VMEM((NBUF, CPB, CHUNK), jnp.int32),
            pltpu.VMEM((NBUF, BLK, D), jnp.float32),
            pltpu.VMEM((NS, D), jnp.float32),
            pltpu.VMEM_SHARED((S, D), jnp.float32),
            [pltpu.SemaphoreType.DMA] * NBUF,
            [pltpu.SemaphoreType.DMA] * NBUF,
        ],
    )
    def body(h_hbm, seg_hbm, out_hbm, idx_v, rows_v, zero_v, accum_sh,
             lsems, ssems):
        cid = lax.axis_index("c")
        sid = lax.axis_index("s")
        wid = sid * NC + cid

        def start_load(blk, b):
            pltpu.async_copy(
                h_hbm.at[pl.ds(blk * BLK, BLK)], rows_v.at[b], lsems[b])
            pltpu.async_copy(
                seg_hbm.at[pl.ds(blk * CPB, CPB)], idx_v.at[b], lsems[b])

        def wait_load(blk, b):
            pltpu.make_async_copy(
                h_hbm.at[pl.ds(blk * BLK, BLK)], rows_v.at[b], lsems[b]).wait()
            pltpu.make_async_copy(
                seg_hbm.at[pl.ds(blk * CPB, CPB)], idx_v.at[b], lsems[b]).wait()

        def start_scatter(b):
            for j in range(CPB):
                pltpu.async_copy(
                    rows_v.at[b, pl.ds(j * CHUNK, CHUNK)],
                    accum_sh.at[idx_v.at[b, j]],
                    ssems[b],
                    add=True,
                )

        def wait_scatter(b):
            for j in range(CPB):
                pltpu.make_async_copy(
                    rows_v.at[b, pl.ds(j * CHUNK, CHUNK)],
                    accum_sh.at[idx_v.at[b, j]],
                    ssems[b],
                ).wait()

        start_load(wid, 0)

        @pl.when(wid + NW < NBLK)
        def _():
            start_load(wid + NW, 1)

        z = jnp.zeros((16,), jnp.float32)
        for r in range(NS):
            for j in range(D // 16):
                zero_v[r, pl.ds(j * 16, 16)] = z
        pltpu.sync_copy(zero_v, accum_sh.at[pl.ds(sid * NS, NS)])
        plsc.subcore_barrier()

        def outer(o, carry):
            for b in range(NBUF):
                i = o * NBUF + b
                c = wid + i * NW

                @pl.when(c < NBLK)
                def _():
                    wait_load(c, b)

                    @pl.when(i > 0)
                    def _():
                        wait_scatter((b + NBUF - 1) % NBUF)

                    cn = c + 2 * NW

                    @pl.when(cn < NBLK)
                    def _():
                        start_load(cn, (b + 2) % NBUF)

                    start_scatter(b)

            return carry

        lax.fori_loop(0, MAX_ITERS // NBUF, outer, 0)

        nblocks = (NBLK - wid + NW - 1) // NW
        b_last = (nblocks - 1) % NBUF
        for bb in range(NBUF):
            @pl.when(b_last == bb)
            def _():
                wait_scatter(bb)

        plsc.subcore_barrier()

        pltpu.sync_copy(
            accum_sh.at[pl.ds(sid * NS, NS)],
            out_hbm.at[cid, pl.ds(sid * NS, NS)],
        )

    return body(h, seg2d)


def _tc_body(ids_ref, h_ref, o_ref):
    g = pl.program_id(0)
    ids = ids_ref[0, 0, :]
    seg_iota = lax.broadcasted_iota(jnp.int32, (S, R), 0)
    onehot = (seg_iota == ids[None, :]).astype(jnp.bfloat16)
    hf = h_ref[...]
    hi = hf.astype(jnp.bfloat16)
    lo = (hf - hi.astype(jnp.float32)).astype(jnp.bfloat16)
    dims = (((1,), (0,)), ((), ()))
    part = lax.dot_general(
        onehot, hi, dims, preferred_element_type=jnp.float32,
    ) + lax.dot_general(
        onehot, lo, dims, preferred_element_type=jnp.float32,
    )

    @pl.when(g == 0)
    def _():
        o_ref[...] = part

    @pl.when(g > 0)
    def _():
        o_ref[...] += part


def _tc_segment_sum(h, ids3d):
    return pl.pallas_call(
        _tc_body,
        grid=(G_TC,),
        in_specs=[
            pl.BlockSpec((1, 1, R), lambda g: (g + G_OFF, 0, 0)),
            pl.BlockSpec((R, D), lambda g: (g + G_OFF, 0)),
        ],
        out_specs=pl.BlockSpec((S, D), lambda g: (0, 0)),
        out_shape=jax.ShapeDtypeStruct((S, D), jnp.float32),
    )(ids3d, h)


def _combine_body(p_ref, q_ref, o_ref):
    o_ref[...] = p_ref[0] + p_ref[1] + q_ref[...]


def kernel(h, segment_ids, num_segments):
    shift = jnp.asarray(num_segments, jnp.int32) - jnp.int32(S)
    seg = segment_ids.astype(jnp.int32) + shift
    seg2d = seg.reshape(NCHUNKS, CHUNK)
    ids3d = seg.reshape(N // R, 1, R)
    partials_sc = _sc_segment_sum(h, seg2d)
    partial_tc = _tc_segment_sum(h, ids3d)
    return pl.pallas_call(
        _combine_body,
        out_shape=jax.ShapeDtypeStruct((S, D), jnp.float32),
    )(partials_sc, partial_tc)

# --- scband reference (transcript-rebuilt; emitter-appended) ---
"""Pipeline reference for scband-base-representation-88776974008574 (READ-ONLY COPY).

The authoritative reference and input builder live on the scoring server;
editing this copy changes nothing except your own understanding.
"""

import jax, jax.numpy as jnp
import numpy as np

N = 320000
D = 128
NUM_SEGMENTS = 256


def setup_inputs(seed: int = 0) -> dict:
    key = jax.random.key(seed)
    k1, k2 = jax.random.split(key)
    h = jax.random.normal(k1, (N, D), dtype=jnp.float32)
    segment_ids = jnp.sort(jax.random.randint(k2, (N,), 0, NUM_SEGMENTS, dtype=jnp.int32))
    return {"h": h, "segment_ids": segment_ids, "num_segments": NUM_SEGMENTS}


def reference(h, segment_ids, num_segments):
    # BaseRepresentation.forward with forward_mode='sum':
    #   dgl.sum_nodes(g, 'h') == per-graph sum of node feature 'h' over a batched graph.
    # segment_ids maps each node to its graph index within the batch.
    num_segments = jnp.asarray(num_segments, dtype=jnp.int32)
    segment_ids = segment_ids + (num_segments - jnp.int32(NUM_SEGMENTS))
    return jax.ops.segment_sum(h, segment_ids, num_segments=NUM_SEGMENTS)

if __name__ == "__main__":
    import jax
    _d = setup_inputs()
    print(jax.jit(kernel)(*tuple(_d.values())))

</pallas_src>

<mosaic_0001>
#map = affine_map<(d0, d1) -> (0, 0)>
#map1 = affine_map<(d0, d1) -> (0, 0, 0)>
module attributes {stable_mosaic.version = 14 : i64} {
  func.func @body(%arg0: i32, %arg1: i32, %arg2: memref<320000x128xf32, #tpu.memory_space<hbm>>, %arg3: memref<2500x128xi32, #tpu.memory_space<hbm>>, %arg4: memref<2x256x128xf32, #tpu.memory_space<hbm>>, %arg5: memref<3x2x128xi32, #tpu.memory_space<vmem>>, %arg6: memref<3x256x128xf32, #tpu.memory_space<vmem>>, %arg7: memref<16x128xf32, #tpu.memory_space<vmem>>, %arg8: memref<256x128xf32, #tpu.memory_space<vmem_shared>>, %arg9: memref<!tpu.dma_semaphore, #tpu.memory_space<semaphore_mem>>, %arg10: memref<!tpu.dma_semaphore, #tpu.memory_space<semaphore_mem>>, %arg11: memref<!tpu.dma_semaphore, #tpu.memory_space<semaphore_mem>>, %arg12: memref<!tpu.dma_semaphore, #tpu.memory_space<semaphore_mem>>, %arg13: memref<!tpu.dma_semaphore, #tpu.memory_space<semaphore_mem>>, %arg14: memref<!tpu.dma_semaphore, #tpu.memory_space<semaphore_mem>>) attributes {dimension_semantics = [#tpu.dimension_semantics<core_parallel>, #tpu.dimension_semantics<subcore_parallel>], iteration_bounds = array<i64: 2, 16>, scalar_prefetch = 0 : i64, scratch_operands = 10 : i64, tpu.core_type = #tpu.core_type<sc_vector_subcore>, window_params = [{transform_indices = #map}, {transform_indices = #map}, {transform_indices = #map1}]} {
    %mul3A = arith.constant 2 : i32
    %mul3A_0 = arith.muli %arg1, %mul3A : i32
    %add3A = arith.addi %mul3A_0, %arg0 : i32
    %mul3A_1 = arith.constant 256 : i32
    %mul3A_2 = arith.muli %add3A, %mul3A_1 : i32
    %dma_start3A = arith.constant 0 : i32
    %dma_start3A_3 = arith.constant 0 : i32
    %dma_start3A_4 = arith.constant 0 : i32
    %dma_start3A_5 = tpu.memref_slice %arg6[%dma_start3A, %dma_start3A_3, %dma_start3A_4] : memref<3x256x128xf32, #tpu.memory_space<vmem>> -> memref<1x256x128xf32, #tpu.memory_space<vmem>>
    %dma_start3A_6 = tpu.memref_squeeze %dma_start3A_5 : memref<1x256x128xf32, #tpu.memory_space<vmem>> -> memref<256x128xf32, #tpu.memory_space<vmem>>
    %dma_start3A_7 = arith.constant 0 : i32
    %dma_start3A_8 = tpu.memref_slice %arg2[%mul3A_2, %dma_start3A_7] : memref<320000x128xf32, #tpu.memory_space<hbm>> -> memref<256x128xf32, #tpu.memory_space<hbm>>
    %dma_start3A_9 = arith.constant 0 : i32
    %dma_start3A_10 = arith.constant 0 : i32
    %dma_start3A_11 = tpu.memref_slice %arg6[%dma_start3A, %dma_start3A_9, %dma_start3A_10] : memref<3x256x128xf32, #tpu.memory_space<vmem>> -> memref<1x256x128xf32, #tpu.memory_space<vmem>>
    %dma_start3A_12 = tpu.memref_squeeze %dma_start3A_11 : memref<1x256x128xf32, #tpu.memory_space<vmem>> -> memref<256x128xf32, #tpu.memory_space<vmem>>
    %dma_start3A_13 = arith.constant 0 : i32
    %dma_start3A_14 = tpu.memref_slice %arg2[%mul3A_2, %dma_start3A_13] : memref<320000x128xf32, #tpu.memory_space<hbm>> -> memref<256x128xf32, #tpu.memory_space<hbm>>
    tpu.enqueue_dma source(%dma_start3A_14 : memref<256x128xf32, #tpu.memory_space<hbm>>) target(%dma_start3A_12 : memref<256x128xf32, #tpu.memory_space<vmem>>) target_semaphore(%arg9 : memref<!tpu.dma_semaphore, #tpu.memory_space<semaphore_mem>>)
    %mul3A_15 = arith.constant 2 : i32
    %mul3A_16 = arith.muli %add3A, %mul3A_15 : i32
    %dma_start3A_17 = arith.constant 0 : i32
    %dma_start3A_18 = arith.constant 0 : i32
    %dma_start3A_19 = arith.constant 0 : i32
    %dma_start3A_20 = tpu.memref_slice %arg5[%dma_start3A_17, %dma_start3A_18, %dma_start3A_19] : memref<3x2x128xi32, #tpu.memory_space<vmem>> -> memref<1x2x128xi32, #tpu.memory_space<vmem>>
    %dma_start3A_21 = tpu.memref_squeeze %dma_start3A_20 : memref<1x2x128xi32, #tpu.memory_space<vmem>> -> memref<2x128xi32, #tpu.memory_space<vmem>>
    %dma_start3A_22 = arith.constant 0 : i32
    %dma_start3A_23 = tpu.memref_slice %arg3[%mul3A_16, %dma_start3A_22] : memref<2500x128xi32, #tpu.memory_space<hbm>> -> memref<2x128xi32, #tpu.memory_space<hbm>>
    %dma_start3A_24 = arith.constant 0 : i32
    %dma_start3A_25 = arith.constant 0 : i32
    %dma_start3A_26 = tpu.memref_slice %arg5[%dma_start3A_17, %dma_start3A_24, %dma_start3A_25] : memref<3x2x128xi32, #tpu.memory_space<vmem>> -> memref<1x2x128xi32, #tpu.memory_space<vmem>>
    %dma_start3A_27 = tpu.memref_squeeze %dma_start3A_26 : memref<1x2x128xi32, #tpu.memory_space<vmem>> -> memref<2x128xi32, #tpu.memory_space<vmem>>
    %dma_start3A_28 = arith.constant 0 : i32
    %dma_start3A_29 = tpu.memref_slice %arg3[%mul3A_16, %dma_start3A_28] : memref<2500x128xi32, #tpu.memory_space<hbm>> -> memref<2x128xi32, #tpu.memory_space<hbm>>
    tpu.enqueue_dma source(%dma_start3A_29 : memref<2x128xi32, #tpu.memory_space<hbm>>) target(%dma_start3A_27 : memref<2x128xi32, #tpu.memory_space<vmem>>) target_semaphore(%arg9 : memref<!tpu.dma_semaphore, #tpu.memory_space<semaphore_mem>>)
    %add3A_30 = arith.constant 32 : i32
    %add3A_31 = arith.addi %add3A, %add3A_30 : i32
    %lt3A = arith.constant 990 : i32
    %lt3A_32 = arith.cmpi slt, %add3A_31, %lt3A : i32
    %convert_element_type3A = arith.extui %lt3A_32 : i1 to i32
    %cond3A = arith.constant 0 : i32
    %cond3A_33 = arith.cmpi ne, %convert_element_type3A, %cond3A : i32
    scf.if %cond3A_33 {
      %add3A_868 = arith.constant 32 : i32
      %add3A_869 = arith.addi %add3A, %add3A_868 : i32
      %mul3A_870 = arith.constant 256 : i32
      %mul3A_871 = arith.muli %add3A_869, %mul3A_870 : i32
      %dma_start3A_872 = arith.constant 1 : i32
      %dma_start3A_873 = arith.constant 0 : i32
      %dma_start3A_874 = arith.constant 0 : i32
      %dma_start3A_875 = tpu.memref_slice %arg6[%dma_start3A_872, %dma_start3A_873, %dma_start3A_874] : memref<3x256x128xf32, #tpu.memory_space<vmem>> -> memref<1x256x128xf32, #tpu.memory_space<vmem>>
      %dma_start3A_876 = tpu.memref_squeeze %dma_start3A_875 : memref<1x256x128xf32, #tpu.memory_space<vmem>> -> memref<256x128xf32, #tpu.memory_space<vmem>>
      %dma_start3A_877 = arith.constant 0 : i32
      %dma_start3A_878 = tpu.memref_slice %arg2[%mul3A_871, %dma_start3A_877] : memref<320000x128xf32, #tpu.memory_space<hbm>> -> memref<256x128xf32, #tpu.memory_space<hbm>>
      %dma_start3A_879 = arith.constant 0 : i32
      %dma_start3A_880 = arith.constant 0 : i32
      %dma_start3A_881 = tpu.memref_slice %arg6[%dma_start3A_872, %dma_start3A_879, %dma_start3A_880] : memref<3x256x128xf32, #tpu.memory_space<vmem>> -> memref<1x256x128xf32, #tpu.memory_space<vmem>>
      %dma_start3A_882 = tpu.memref_squeeze %dma_start3A_881 : memref<1x256x128xf32, #tpu.memory_space<vmem>> -> memref<256x128xf32, #tpu.memory_space<vmem>>
      %dma_start3A_883 = arith.constant 0 : i32
      %dma_start3A_884 = tpu.memref_slice %arg2[%mul3A_871, %dma_start3A_883] : memref<320000x128xf32, #tpu.memory_space<hbm>> -> memref<256x128xf32, #tpu.memory_space<hbm>>
      tpu.enqueue_dma source(%dma_start3A_884 : memref<256x128xf32, #tpu.memory_space<hbm>>) target(%dma_start3A_882 : memref<256x128xf32, #tpu.memory_space<vmem>>) target_semaphore(%arg10 : memref<!tpu.dma_semaphore, #tpu.memory_space<semaphore_mem>>)
      %mul3A_885 = arith.constant 2 : i32
      %mul3A_886 = arith.muli %add3A_869, %mul3A_885 : i32
      %dma_start3A_887 = arith.constant 1 : i32
      %dma_start3A_888 = arith.constant 0 : i32
      %dma_start3A_889 = arith.constant 0 : i32
      %dma_start3A_890 = tpu.memref_slice %arg5[%dma_start3A_887, %dma_start3A_888, %dma_start3A_889] : memref<3x2x128xi32, #tpu.memory_space<vmem>> -> memref<1x2x128xi32, #tpu.memory_space<vmem>>
      %dma_start3A_891 = tpu.memref_squeeze %dma_start3A_890 : memref<1x2x128xi32, #tpu.memory_space<vmem>> -> memref<2x128xi32, #tpu.memory_space<vmem>>
      %dma_start3A_892 = arith.constant 0 : i32
      %dma_start3A_893 = tpu.memref_slice %arg3[%mul3A_886, %dma_start3A_892] : memref<2500x128xi32, #tpu.memory_space<hbm>> -> memref<2x128xi32, #tpu.memory_space<hbm>>
      %dma_start3A_894 = arith.constant 0 : i32
      %dma_start3A_895 = arith.constant 0 : i32
      %dma_start3A_896 = tpu.memref_slice %arg5[%dma_start3A_887, %dma_start3A_894, %dma_start3A_895] : memref<3x2x128xi32, #tpu.memory_space<vmem>> -> memref<1x2x128xi32, #tpu.memory_space<vmem>>
      %dma_start3A_897 = tpu.memref_squeeze %dma_start3A_896 : memref<1x2x128xi32, #tpu.memory_space<vmem>> -> memref<2x128xi32, #tpu.memory_space<vmem>>
      %dma_start3A_898 = arith.constant 0 : i32
      %dma_start3A_899 = tpu.memref_slice %arg3[%mul3A_886, %dma_start3A_898] : memref<2500x128xi32, #tpu.memory_space<hbm>> -> memref<2x128xi32, #tpu.memory_space<hbm>>
      tpu.enqueue_dma source(%dma_start3A_899 : memref<2x128xi32, #tpu.memory_space<hbm>>) target(%dma_start3A_897 : memref<2x128xi32, #tpu.memory_space<vmem>>) target_semaphore(%arg10 : memref<!tpu.dma_semaphore, #tpu.memory_space<semaphore_mem>>)
    } else {
    }
    %broadcast_in_dim3A = arith.constant 0.000000e+00 : f32
    %broadcast_in_dim3A_34 = vector.broadcast %broadcast_in_dim3A : f32 to vector<16xf32>
    %swap3A = arith.constant 0 : i32
    %swap3A_35 = arith.index_cast %swap3A : i32 to index
    %swap3A_36 = arith.constant 0 : index
    %swap3A_37 = tpu.vector_load %arg7[%swap3A_35, %swap3A_36] {strides = array<i32>} : memref<16x128xf32, #tpu.memory_space<vmem>>, vector<1x16xf32>,
    %swap3A_38 = vector.shape_cast %swap3A_37 : vector<1x16xf32> to vector<16xf32>
    %swap3A_39 = vector.shape_cast %broadcast_in_dim3A_34 : vector<16xf32> to vector<1x16xf32>
    tpu.vector_store %arg7[%swap3A_35, %swap3A_36], %swap3A_39 {strides = array<i32>} : memref<16x128xf32, #tpu.memory_space<vmem>>, vector<1x16xf32>,
    %swap3A_40 = arith.constant 0 : i32
    %swap3A_41 = arith.index_cast %swap3A_40 : i32 to index
    %swap3A_42 = arith.constant 16 : index
    %swap3A_43 = tpu.vector_load %arg7[%swap3A_41, %swap3A_42] {strides = array<i32>} : memref<16x128xf32, #tpu.memory_space<vmem>>, vector<1x16xf32>,
    %swap3A_44 = vector.shape_cast %swap3A_43 : vector<1x16xf32> to vector<16xf32>
    %swap3A_45 = vector.shape_cast %broadcast_in_dim3A_34 : vector<16xf32> to vector<1x16xf32>
    tpu.vector_store %arg7[%swap3A_41, %swap3A_42], %swap3A_45 {strides = array<i32>} : memref<16x128xf32, #tpu.memory_space<vmem>>, vector<1x16xf32>,
    %swap3A_46 = arith.constant 0 : i32
    %swap3A_47 = arith.index_cast %swap3A_46 : i32 to index
    %swap3A_48 = arith.constant 32 : index
    %swap3A_49 = tpu.vector_load %arg7[%swap3A_47, %swap3A_48] {strides = array<i32>} : memref<16x128xf32, #tpu.memory_space<vmem>>, vector<1x16xf32>,
    %swap3A_50 = vector.shape_cast %swap3A_49 : vector<1x16xf32> to vector<16xf32>
    %swap3A_51 = vector.shape_cast %broadcast_in_dim3A_34 : vector<16xf32> to vector<1x16xf32>
    tpu.vector_store %arg7[%swap3A_47, %swap3A_48], %swap3A_51 {strides = array<i32>} : memref<16x128xf32, #tpu.memory_space<vmem>>, vector<1x16xf32>,
    %swap3A_52 = arith.constant 0 : i32
    %swap3A_53 = arith.index_cast %swap3A_52 : i32 to index
    %swap3A_54 = arith.constant 48 : index
    %swap3A_55 = tpu.vector_load %arg7[%swap3A_53, %swap3A_54] {strides = array<i32>} : memref<16x128xf32, #tpu.memory_space<vmem>>, vector<1x16xf32>,
    %swap3A_56 = vector.shape_cast %swap3A_55 : vector<1x16xf32> to vector<16xf32>
    %swap3A_57 = vector.shape_cast %broadcast_in_dim3A_34 : vector<16xf32> to vector<1x16xf32>
    tpu.vector_store %arg7[%swap3A_53, %swap3A_54], %swap3A_57 {strides = array<i32>} : memref<16x128xf32, #tpu.memory_space<vmem>>, vector<1x16xf32>,
    %swap3A_58 = arith.constant 0 : i32
    %swap3A_59 = arith.index_cast %swap3A_58 : i32 to index
    %swap3A_60 = arith.constant 64 : index
    %swap3A_61 = tpu.vector_load %arg7[%swap3A_59, %swap3A_60] {strides = array<i32>} : memref<16x128xf32, #tpu.memory_space<vmem>>, vector<1x16xf32>,
    %swap3A_62 = vector.shape_cast %swap3A_61 : vector<1x16xf32> to vector<16xf32>
    %swap3A_63 = vector.shape_cast %broadcast_in_dim3A_34 : vector<16xf32> to vector<1x16xf32>
    tpu.vector_store %arg7[%swap3A_59, %swap3A_60], %swap3A_63 {strides = array<i32>} : memref<16x128xf32, #tpu.memory_space<vmem>>, vector<1x16xf32>,
    %swap3A_64 = arith.constant 0 : i32
    %swap3A_65 = arith.index_cast %swap3A_64 : i32 to index
    %swap3A_66 = arith.constant 80 : index
    %swap3A_67 = tpu.vector_load %arg7[%swap3A_65, %swap3A_66] {strides = array<i32>} : memref<16x128xf32, #tpu.memory_space<vmem>>, vector<1x16xf32>,
    %swap3A_68 = vector.shape_cast %swap3A_67 : vector<1x16xf32> to vector<16xf32>
    %swap3A_69 = vector.shape_cast %broadcast_in_dim3A_34 : vector<16xf32> to vector<1x16xf32>
    tpu.vector_store %arg7[%swap3A_65, %swap3A_66], %swap3A_69 {strides = array<i32>} : memref<16x128xf32, #tpu.memory_space<vmem>>, vector<1x16xf32>,
    %swap3A_70 = arith.constant 0 : i32
    %swap3A_71 = arith.index_cast %swap3A_70 : i32 to index
    %swap3A_72 = arith.constant 96 : index
    %swap3A_73 = tpu.vector_load %arg7[%swap3A_71, %swap3A_72] {strides = array<i32>} : memref<16x128xf32, #tpu.memory_space<vmem>>, vector<1x16xf32>,
    %swap3A_74 = vector.shape_cast %swap3A_73 : vector<1x16xf32> to vector<16xf32>
    %swap3A_75 = vector.shape_cast %broadcast_in_dim3A_34 : vector<16xf32> to vector<1x16xf32>
    tpu.vector_store %arg7[%swap3A_71, %swap3A_72], %swap3A_75 {strides = array<i32>} : memref<16x128xf32, #tpu.memory_space<vmem>>, vector<1x16xf32>,
    %swap3A_76 = arith.constant 0 : i32
    %swap3A_77 = arith.index_cast %swap3A_76 : i32 to index
    %swap3A_78 = arith.constant 112 : index
    %swap3A_79 = tpu.vector_load %arg7[%swap3A_77, %swap3A_78] {strides = array<i32>} : memref<16x128xf32, #tpu.memory_space<vmem>>, vector<1x16xf32>,
    %swap3A_80 = vector.shape_cast %swap3A_79 : vector<1x16xf32> to vector<16xf32>
    %swap3A_81 = vector.shape_cast %broadcast_in_dim3A_34 : vector<16xf32> to vector<1x16xf32>
    tpu.vector_store %arg7[%swap3A_77, %swap3A_78], %swap3A_81 {strides = array<i32>} : memref<16x128xf32, #tpu.memory_space<vmem>>, vector<1x16xf32>,
    %swap3A_82 = arith.constant 1 : i32
    %swap3A_83 = arith.index_cast %swap3A_82 : i32 to index
    %swap3A_84 = arith.constant 0 : index
    %swap3A_85 = tpu.vector_load %arg7[%swap3A_83, %swap3A_84] {strides = array<i32>} : memref<16x128xf32, #tpu.memory_space<vmem>>, vector<1x16xf32>,
    %swap3A_86 = vector.shape_cast %swap3A_85 : vector<1x16xf32> to vector<16xf32>
    %swap3A_87 = vector.shape_cast %broadcast_in_dim3A_34 : vector<16xf32> to vector<1x16xf32>
    tpu.vector_store %arg7[%swap3A_83, %swap3A_84], %swap3A_87 {strides = array<i32>} : memref<16x128xf32, #tpu.memory_space<vmem>>, vector<1x16xf32>,
    %swap3A_88 = arith.constant 1 : i32
    %swap3A_89 = arith.index_cast %swap3A_88 : i32 to index
    %swap3A_90 = arith.constant 16 : index
    %swap3A_91 = tpu.vector_load %arg7[%swap3A_89, %swap3A_90] {strides = array<i32>} : memref<16x128xf32, #tpu.memory_space<vmem>>, vector<1x16xf32>,
    %swap3A_92 = vector.shape_cast %swap3A_91 : vector<1x16xf32> to vector<16xf32>
    %swap3A_93 = vector.shape_cast %broadcast_in_dim3A_34 : vector<16xf32> to vector<1x16xf32>
    tpu.vector_store %arg7[%swap3A_89, %swap3A_90], %swap3A_93 {strides = array<i32>} : memref<16x128xf32, #tpu.memory_space<vmem>>, vector<1x16xf32>,
    %swap3A_94 = arith.constant 1 : i32
    %swap3A_95 = arith.index_cast %swap3A_94 : i32 to index
    %swap3A_96 = arith.constant 32 : index
    %swap3A_97 = tpu.vector_load %arg7[%swap3A_95, %swap3A_96] {strides = array<i32>} : memref<16x128xf32, #tpu.memory_space<vmem>>, vector<1x16xf32>,
    %swap3A_98 = vector.shape_cast %swap3A_97 : vector<1x16xf32> to vector<16xf32>
    %swap3A_99 = vector.shape_cast %broadcast_in_dim3A_34 : vector<16xf32> to vector<1x16xf32>
    tpu.vector_store %arg7[%swap3A_95, %swap3A_96], %swap3A_99 {strides = array<i32>} : memref<16x128xf32, #tpu.memory_space<vmem>>, vector<1x16xf32>,
    %swap3A_100 = arith.constant 1 : i32
    %swap3A_101 = arith.index_cast %swap3A_100 : i32 to index
    %swap3A_102 = arith.constant 48 : index
    %swap3A_103 = tpu.vector_load %arg7[%swap3A_101, %swap3A_102] {strides = array<i32>} : memref<16x128xf32, #tpu.memory_space<vmem>>, vector<1x16xf32>,
    %swap3A_104 = vector.shape_cast %swap3A_103 : vector<1x16xf32> to vector<16xf32>
    %swap3A_105 = vector.shape_cast %broadcast_in_dim3A_34 : vector<16xf32> to vector<1x16xf32>
    tpu.vector_store %arg7[%swap3A_101, %swap3A_102], %swap3A_105 {strides = array<i32>} : memref<16x128xf32, #tpu.memory_space<vmem>>, vector<1x16xf32>,
    %swap3A_106 = arith.constant 1 : i32
    %swap3A_107 = arith.index_cast %swap3A_106 : i32 to index
    %swap3A_108 = arith.constant 64 : index
    %swap3A_109 = tpu.vector_load %arg7[%swap3A_107, %swap3A_108] {strides = array<i32>} : memref<16x128xf32, #tpu.memory_space<vmem>>, vector<1x16xf32>,
    %swap3A_110 = vector.shape_cast %swap3A_109 : vector<1x16xf32> to vector<16xf32>
    %swap3A_111 = vector.shape_cast %broadcast_in_dim3A_34 : vector<16xf32> to vector<1x16xf32>
    tpu.vector_store %arg7[%swap3A_107, %swap3A_108], %swap3A_111 {strides = array<i32>} : memref<16x128xf32, #tpu.memory_space<vmem>>, vector<1x16xf32>,
    %swap3A_112 = arith.constant 1 : i32
    %swap3A_113 = arith.index_cast %swap3A_112 : i32 to index
    %swap3A_114 = arith.constant 80 : index
    %swap3A_115 = tpu.vector_load %arg7[%swap3A_113, %swap3A_114] {strides = array<i32>} : memref<16x128xf32, #tpu.memory_space<vmem>>, vector<1x16xf32>,
    %swap3A_116 = vector.shape_cast %swap3A_115 : vector<1x16xf32> to vector<16xf32>
    %swap3A_117 = vector.shape_cast %broadcast_in_dim3A_34 : vector<16xf32> to vector<1x16xf32>
    tpu.vector_store %arg7[%swap3A_113, %swap3A_114], %swap3A_117 {strides = array<i32>} : memref<16x128xf32, #tpu.memory_space<vmem>>, vector<1x16xf32>,
    %swap3A_118 = arith.constant 1 : i32
    %swap3A_119 = arith.index_cast %swap3A_118 : i32 to index
    %swap3A_120 = arith.constant 96 : index
    %swap3A_121 = tpu.vector_load %arg7[%swap3A_119, %swap3A_120] {strides = array<i32>} : memref<16x128xf32, #tpu.memory_space<vmem>>, vector<1x16xf32>,
    %swap3A_122 = vector.shape_cast %swap3A_121 : vector<1x16xf32> to vector<16xf32>
    %swap3A_123 = vector.shape_cast %broadcast_in_dim3A_34 : vector<16xf32> to vector<1x16xf32>
    tpu.vector_store %arg7[%swap3A_119, %swap3A_120], %swap3A_123 {strides = array<i32>} : memref<16x128xf32, #tpu.memory_space<vmem>>, vector<1x16xf32>,
    %swap3A_124 = arith.constant 1 : i32
    %swap3A_125 = arith.index_cast %swap3A_124 : i32 to index
    %swap3A_126 = arith.constant 112 : index
    %swap3A_127 = tpu.vector_load %arg7[%swap3A_125, %swap3A_126] {strides = array<i32>} : memref<16x128xf32, #tpu.memory_space<vmem>>, vector<1x16xf32>,
    %swap3A_128 = vector.shape_cast %swap3A_127 : vector<1x16xf32> to vector<16xf32>
    %swap3A_129 = vector.shape_cast %broadcast_in_dim3A_34 : vector<16xf32> to vector<1x16xf32>
    tpu.vector_store %arg7[%swap3A_125, %swap3A_126], %swap3A_129 {strides = array<i32>} : memref<16x128xf32, #tpu.memory_space<vmem>>, vector<1x16xf32>,
    %swap3A_130 = arith.constant 2 : i32
    %swap3A_131 = arith.index_cast %swap3A_130 : i32 to index
    %swap3A_132 = arith.constant 0 : index
    %swap3A_133 = tpu.vector_load %arg7[%swap3A_131, %swap3A_132] {strides = array<i32>} : memref<16x128xf32, #tpu.memory_space<vmem>>, vector<1x16xf32>,
    %swap3A_134 = vector.shape_cast %swap3A_133 : vector<1x16xf32> to vector<16xf32>
    %swap3A_135 = vector.shape_cast %broadcast_in_dim3A_34 : vector<16xf32> to vector<1x16xf32>
    tpu.vector_store %arg7[%swap3A_131, %swap3A_132], %swap3A_135 {strides = array<i32>} : memref<16x128xf32, #tpu.memory_space<vmem>>, vector<1x16xf32>,
    %swap3A_136 = arith.constant 2 : i32
    %swap3A_137 = arith.index_cast %swap3A_136 : i32 to index
    %swap3A_138 = arith.constant 16 : index
    %swap3A_139 = tpu.vector_load %arg7[%swap3A_137, %swap3A_138] {strides = array<i32>} : memref<16x128xf32, #tpu.memory_space<vmem>>, vector<1x16xf32>,
    %swap3A_140 = vector.shape_cast %swap3A_139 : vector<1x16xf32> to vector<16xf32>
    %swap3A_141 = vector.shape_cast %broadcast_in_dim3A_34 : vector<16xf32> to vector<1x16xf32>
    tpu.vector_store %arg7[%swap3A_137, %swap3A_138], %swap3A_141 {strides = array<i32>} : memref<16x128xf32, #tpu.memory_space<vmem>>, vector<1x16xf32>,
    %swap3A_142 = arith.constant 2 : i32
    %swap3A_143 = arith.index_cast %swap3A_142 : i32 to index
    %swap3A_144 = arith.constant 32 : index
    %swap3A_145 = tpu.vector_load %arg7[%swap3A_143, %swap3A_144] {strides = array<i32>} : memref<16x128xf32, #tpu.memory_space<vmem>>, vector<1x16xf32>,
    %swap3A_146 = vector.shape_cast %swap3A_145 : vector<1x16xf32> to vector<16xf32>
    %swap3A_147 = vector.shape_cast %broadcast_in_dim3A_34 : vector<16xf32> to vector<1x16xf32>
    tpu.vector_store %arg7[%swap3A_143, %swap3A_144], %swap3A_147 {strides = array<i32>} : memref<16x128xf32, #tpu.memory_space<vmem>>, vector<1x16xf32>,
    %swap3A_148 = arith.constant 2 : i32
    %swap3A_149 = arith.index_cast %swap3A_148 : i32 to index
    %swap3A_150 = arith.constant 48 : index
    %swap3A_151 = tpu.vector_load %arg7[%swap3A_149, %swap3A_150] {strides = array<i32>} : memref<16x128xf32, #tpu.memory_space<vmem>>, vector<1x16xf32>,
    %swap3A_152 = vector.shape_cast %swap3A_151 : vector<1x16xf32> to vector<16xf32>
    %swap3A_153 = vector.shape_cast %broadcast_in_dim3A_34 : vector<16xf32> to vector<1x16xf32>
    tpu.vector_store %arg7[%swap3A_149, %swap3A_150], %swap3A_153 {strides = array<i32>} : memref<16x128xf32, #tpu.memory_space<vmem>>, vector<1x16xf32>,
    %swap3A_154 = arith.constant 2 : i32
    %swap3A_155 = arith.index_cast %swap3A_154 : i32 to index
    %swap3A_156 = arith.constant 64 : index
    %swap3A_157 = tpu.vector_load %arg7[%swap3A_155, %swap3A_156] {strides = array<i32>} : memref<16x128xf32, #tpu.memory_space<vmem>>, vector<1x16xf32>,
    %swap3A_158 = vector.shape_cast %swap3A_157 : vector<1x16xf32> to vector<16xf32>
    %swap3A_159 = vector.shape_cast %broadcast_in_dim3A_34 : vector<16xf32> to vector<1x16xf32>
    tpu.vector_store %arg7[%swap3A_155, %swap3A_156], %swap3A_159 {strides = array<i32>} : memref<16x128xf32, #tpu.memory_space<vmem>>, vector<1x16xf32>,
    %swap3A_160 = arith.constant 2 : i32
    %swap3A_161 = arith.index_cast %swap3A_160 : i32 to index
    %swap3A_162 = arith.constant 80 : index
    %swap3A_163 = tpu.vector_load %arg7[%swap3A_161, %swap3A_162] {strides = array<i32>} : memref<16x128xf32, #tpu.memory_space<vmem>>, vector<1x16xf32>,
    %swap3A_164 = vector.shape_cast %swap3A_163 : vector<1x16xf32> to vector<16xf32>
    %swap3A_165 = vector.shape_cast %broadcast_in_dim3A_34 : vector<16xf32> to vector<1x16xf32>
    tpu.vector_store %arg7[%swap3A_161, %swap3A_162], %swap3A_165 {strides = array<i32>} : memref<16x128xf32, #tpu.memory_space<vmem>>, vector<1x16xf32>,
    %swap3A_166 = arith.constant 2 : i32
    %swap3A_167 = arith.index_cast %swap3A_166 : i32 to index
    %swap3A_168 = arith.constant 96 : index
    %swap3A_169 = tpu.vector_load %arg7[%swap3A_167, %swap3A_168] {strides = array<i32>} : memref<16x128xf32, #tpu.memory_space<vmem>>, vector<1x16xf32>,
    %swap3A_170 = vector.shape_cast %swap3A_169 : vector<1x16xf32> to vector<16xf32>
    %swap3A_171 = vector.shape_cast %broadcast_in_dim3A_34 : vector<16xf32> to vector<1x16xf32>
    tpu.vector_store %arg7[%swap3A_167, %swap3A_168], %swap3A_171 {strides = array<i32>} : memref<16x128xf32, #tpu.memory_space<vmem>>, vector<1x16xf32>,
    %swap3A_172 = arith.constant 2 : i32
    %swap3A_173 = arith.index_cast %swap3A_172 : i32 to index
    %swap3A_174 = arith.constant 112 : index
    %swap3A_175 = tpu.vector_load %arg7[%swap3A_173, %swap3A_174] {strides = array<i32>} : memref<16x128xf32, #tpu.memory_space<vmem>>, vector<1x16xf32>,
    %swap3A_176 = vector.shape_cast %swap3A_175 : vector<1x16xf32> to vector<16xf32>
    %swap3A_177 = vector.shape_cast %broadcast_in_dim3A_34 : vector<16xf32> to vector<1x16xf32>
    tpu.vector_store %arg7[%swap3A_173, %swap3A_174], %swap3A_177 {strides = array<i32>} : memref<16x128xf32, #tpu.memory_space<vmem>>, vector<1x16xf32>,
    %swap3A_178 = arith.constant 3 : i32
    %swap3A_179 = arith.index_cast %swap3A_178 : i32 to index
    %swap3A_180 = arith.constant 0 : index
    %swap3A_181 = tpu.vector_load %arg7[%swap3A_179, %swap3A_180] {strides = array<i32>} : memref<16x128xf32, #tpu.memory_space<vmem>>, vector<1x16xf32>,
    %swap3A_182 = vector.shape_cast %swap3A_181 : vector<1x16xf32> to vector<16xf32>
    %swap3A_183 = vector.shape_cast %broadcast_in_dim3A_34 : vector<16xf32> to vector<1x16xf32>
    tpu.vector_store %arg7[%swap3A_179, %swap3A_180], %swap3A_183 {strides = array<i32>} : memref<16x128xf32, #tpu.memory_space<vmem>>, vector<1x16xf32>,
    %swap3A_184 = arith.constant 3 : i32
    %swap3A_185 = arith.index_cast %swap3A_184 : i32 to index
    %swap3A_186 = arith.constant 16 : index
    %swap3A_187 = tpu.vector_load %arg7[%swap3A_185, %swap3A_186] {strides = array<i32>} : memref<16x128xf32, #tpu.memory_space<vmem>>, vector<1x16xf32>,
    %swap3A_188 = vector.shape_cast %swap3A_187 : vector<1x16xf32> to vector<16xf32>
    %swap3A_189 = vector.shape_cast %broadcast_in_dim3A_34 : vector<16xf32> to vector<1x16xf32>
    tpu.vector_store %arg7[%swap3A_185, %swap3A_186], %swap3A_189 {strides = array<i32>} : memref<16x128xf32, #tpu.memory_space<vmem>>, vector<1x16xf32>,
    %swap3A_190 = arith.constant 3 : i32
    %swap3A_191 = arith.index_cast %swap3A_190 : i32 to index
    %swap3A_192 = arith.constant 32 : index
    %swap3A_193 = tpu.vector_load %arg7[%swap3A_191, %swap3A_192] {strides = array<i32>} : memref<16x128xf32, #tpu.memory_space<vmem>>, vector<1x16xf32>,
    %swap3A_194 = vector.shape_cast %swap3A_193 : vector<1x16xf32> to vector<16xf32>
    %swap3A_195 = vector.shape_cast %broadcast_in_dim3A_34 : vector<16xf32> to vector<1x16xf32>
    tpu.vector_store %arg7[%swap3A_191, %swap3A_192], %swap3A_195 {strides = array<i32>} : memref<16x128xf32, #tpu.memory_space<vmem>>, vector<1x16xf32>,
    %swap3A_196 = arith.constant 3 : i32
    %swap3A_197 = arith.index_cast %swap3A_196 : i32 to index
    %swap3A_198 = arith.constant 48 : index
    %swap3A_199 = tpu.vector_load %arg7[%swap3A_197, %swap3A_198] {strides = array<i32>} : memref<16x128xf32, #tpu.memory_space<vmem>>, vector<1x16xf32>,
    %swap3A_200 = vector.shape_cast %swap3A_199 : vector<1x16xf32> to vector<16xf32>
    %swap3A_201 = vector.shape_cast %broadcast_in_dim3A_34 : vector<16xf32> to vector<1x16xf32>
    tpu.vector_store %arg7[%swap3A_197, %swap3A_198], %swap3A_201 {strides = array<i32>} : memref<16x128xf32, #tpu.memory_space<vmem>>, vector<1x16xf32>,
    %swap3A_202 = arith.constant 3 : i32
    %swap3A_203 = arith.index_cast %swap3A_202 : i32 to index
    %swap3A_204 = arith.constant 64 : index
    %swap3A_205 = tpu.vector_load %arg7[%swap3A_203, %swap3A_204] {strides = array<i32>} : memref<16x128xf32, #tpu.memory_space<vmem>>, vector<1x16xf32>,
    %swap3A_206 = vector.shape_cast %swap3A_205 : vector<1x16xf32> to vector<16xf32>
    %swap3A_207 = vector.shape_cast %broadcast_in_dim3A_34 : vector<16xf32> to vector<1x16xf32>
    tpu.vector_store %arg7[%swap3A_203, %swap3A_204], %swap3A_207 {strides = array<i32>} : memref<16x128xf32, #tpu.memory_space<vmem>>, vector<1x16xf32>,
    %swap3A_208 = arith.constant 3 : i32
    %swap3A_209 = arith.index_cast %swap3A_208 : i32 to index
    %swap3A_210 = arith.constant 80 : index
    %swap3A_211 = tpu.vector_load %arg7[%swap3A_209, %swap3A_210] {strides = array<i32>} : memref<16x128xf32, #tpu.memory_space<vmem>>, vector<1x16xf32>,
    %swap3A_212 = vector.shape_cast %swap3A_211 : vector<1x16xf32> to vector<16xf32>
    %swap3A_213 = vector.shape_cast %broadcast_in_dim3A_34 : vector<16xf32> to vector<1x16xf32>
    tpu.vector_store %arg7[%swap3A_209, %swap3A_210], %swap3A_213 {strides = array<i32>} : memref<16x128xf32, #tpu.memory_space<vmem>>, vector<1x16xf32>,
    %swap3A_214 = arith.constant 3 : i32
    %swap3A_215 = arith.index_cast %swap3A_214 : i32 to index
    %swap3A_216 = arith.constant 96 : index
    %swap3A_217 = tpu.vector_load %arg7[%swap3A_215, %swap3A_216] {strides = array<i32>} : memref<16x128xf32, #tpu.memory_space<vmem>>, vector<1x16xf32>,
    %swap3A_218 = vector.shape_cast %swap3A_217 : vector<1x16xf32> to vector<16xf32>
    %swap3A_219 = vector.shape_cast %broadcast_in_dim3A_34 : vector<16xf32> to vector<1x16xf32>
    tpu.vector_store %arg7[%swap3A_215, %swap3A_216], %swap3A_219 {strides = array<i32>} : memref<16x128xf32, #tpu.memory_space<vmem>>, vector<1x16xf32>,
    %swap3A_220 = arith.constant 3 : i32
    %swap3A_221 = arith.index_cast %swap3A_220 : i32 to index
    %swap3A_222 = arith.constant 112 : index
    %swap3A_223 = tpu.vector_load %arg7[%swap3A_221, %swap3A_222] {strides = array<i32>} : memref<16x128xf32, #tpu.memory_space<vmem>>, vector<1x16xf32>,
    %swap3A_224 = vector.shape_cast %swap3A_223 : vector<1x16xf32> to vector<16xf32>
    %swap3A_225 = vector.shape_cast %broadcast_in_dim3A_34 : vector<16xf32> to vector<1x16xf32>
    tpu.vector_store %arg7[%swap3A_221, %swap3A_222], %swap3A_225 {strides = array<i32>} : memref<16x128xf32, #tpu.memory_space<vmem>>, vector<1x16xf32>,
    %swap3A_226 = arith.constant 4 : i32
    %swap3A_227 = arith.index_cast %swap3A_226 : i32 to index
    %swap3A_228 = arith.constant 0 : index
    %swap3A_229 = tpu.vector_load %arg7[%swap3A_227, %swap3A_228] {strides = array<i32>} : memref<16x128xf32, #tpu.memory_space<vmem>>, vector<1x16xf32>,
    %swap3A_230 = vector.shape_cast %swap3A_229 : vector<1x16xf32> to vector<16xf32>
    %swap3A_231 = vector.shape_cast %broadcast_in_dim3A_34 : vector<16xf32> to vector<1x16xf32>
    tpu.vector_store %arg7[%swap3A_227, %swap3A_228], %swap3A_231 {strides = array<i32>} : memref<16x128xf32, #tpu.memory_space<vmem>>, vector<1x16xf32>,
    %swap3A_232 = arith.constant 4 : i32
    %swap3A_233 = arith.index_cast %swap3A_232 : i32 to index
    %swap3A_234 = arith.constant 16 : index
    %swap3A_235 = tpu.vector_load %arg7[%swap3A_233, %swap3A_234] {strides = array<i32>} : memref<16x128xf32, #tpu.memory_space<vmem>>, vector<1x16xf32>,
    %swap3A_236 = vector.shape_cast %swap3A_235 : vector<1x16xf32> to vector<16xf32>
    %swap3A_237 = vector.shape_cast %broadcast_in_dim3A_34 : vector<16xf32> to vector<1x16xf32>
    tpu.vector_store %arg7[%swap3A_233, %swap3A_234], %swap3A_237 {strides = array<i32>} : memref<16x128xf32, #tpu.memory_space<vmem>>, vector<1x16xf32>,
    %swap3A_238 = arith.constant 4 : i32
    %swap3A_239 = arith.index_cast %swap3A_238 : i32 to index
    %swap3A_240 = arith.constant 32 : index
    %swap3A_241 = tpu.vector_load %arg7[%swap3A_239, %swap3A_240] {strides = array<i32>} : memref<16x128xf32, #tpu.memory_space<vmem>>, vector<1x16xf32>,
    %swap3A_242 = vector.shape_cast %swap3A_241 : vector<1x16xf32> to vector<16xf32>
    %swap3A_243 = vector.shape_cast %broadcast_in_dim3A_34 : vector<16xf32> to vector<1x16xf32>
    tpu.vector_store %arg7[%swap3A_239, %swap3A_240], %swap3A_243 {strides = array<i32>} : memref<16x128xf32, #tpu.memory_space<vmem>>, vector<1x16xf32>,
    %swap3A_244 = arith.constant 4 : i32
    %swap3A_245 = arith.index_cast %swap3A_244 : i32 to index
    %swap3A_246 = arith.constant 48 : index
    %swap3A_247 = tpu.vector_load %arg7[%swap3A_245, %swap3A_246] {strides = array<i32>} : memref<16x128xf32, #tpu.memory_space<vmem>>, vector<1x16xf32>,
    %swap3A_248 = vector.shape_cast %swap3A_247 : vector<1x16xf32> to vector<16xf32>
    %swap3A_249 = vector.shape_cast %broadcast_in_dim3A_34 : vector<16xf32> to vector<1x16xf32>
    tpu.vector_store %arg7[%swap3A_245, %swap3A_246], %swap3A_249 {strides = array<i32>} : memref<16x128xf32, #tpu.memory_space<vmem>>, vector<1x16xf32>,
    %swap3A_250 = arith.constant 4 : i32
    %swap3A_251 = arith.index_cast %swap3A_250 : i32 to index
    %swap3A_252 = arith.constant 64 : index
    %swap3A_253 = tpu.vector_load %arg7[%swap3A_251, %swap3A_252] {strides = array<i32>} : memref<16x128xf32, #tpu.memory_space<vmem>>, vector<1x16xf32>,
    %swap3A_254 = vector.shape_cast %swap3A_253 : vector<1x16xf32> to vector<16xf32>
    %swap3A_255 = vector.shape_cast %broadcast_in_dim3A_34 : vector<16xf32> to vector<1x16xf32>
    tpu.vector_store %arg7[%swap3A_251, %swap3A_252], %swap3A_255 {strides = array<i32>} : memref<16x128xf32, #tpu.memory_space<vmem>>, vector<1x16xf32>,
    %swap3A_256 = arith.constant 4 : i32
    %swap3A_257 = arith.index_cast %swap3A_256 : i32 to index
    %swap3A_258 = arith.constant 80 : index
    %swap3A_259 = tpu.vector_load %arg7[%swap3A_257, %swap3A_258] {strides = array<i32>} : memref<16x128xf32, #tpu.memory_space<vmem>>, vector<1x16xf32>,
    %swap3A_260 = vector.shape_cast %swap3A_259 : vector<1x16xf32> to vector<16xf32>
    %swap3A_261 = vector.shape_cast %broadcast_in_dim3A_34 : vector<16xf32> to vector<1x16xf32>
    tpu.vector_store %arg7[%swap3A_257, %swap3A_258], %swap3A_261 {strides = array<i32>} : memref<16x128xf32, #tpu.memory_space<vmem>>, vector<1x16xf32>,
    %swap3A_262 = arith.constant 4 : i32
    %swap3A_263 = arith.index_cast %swap3A_262 : i32 to index
    %swap3A_264 = arith.constant 96 : index
    %swap3A_265 = tpu.vector_load %arg7[%swap3A_263, %swap3A_264] {strides = array<i32>} : memref<16x128xf32, #tpu.memory_space<vmem>>, vector<1x16xf32>,
    %swap3A_266 = vector.shape_cast %swap3A_265 : vector<1x16xf32> to vector<16xf32>
    %swap3A_267 = vector.shape_cast %broadcast_in_dim3A_34 : vector<16xf32> to vector<1x16xf32>
    tpu.vector_store %arg7[%swap3A_263, %swap3A_264], %swap3A_267 {strides = array<i32>} : memref<16x128xf32, #tpu.memory_space<vmem>>, vector<1x16xf32>,
    %swap3A_268 = arith.constant 4 : i32
    %swap3A_269 = arith.index_cast %swap3A_268 : i32 to index
    %swap3A_270 = arith.constant 112 : index
    %swap3A_271 = tpu.vector_load %arg7[%swap3A_269, %swap3A_270] {strides = array<i32>} : memref<16x128xf32, #tpu.memory_space<vmem>>, vector<1x16xf32>,
    %swap3A_272 = vector.shape_cast %swap3A_271 : vector<1x16xf32> to vector<16xf32>
    %swap3A_273 = vector.shape_cast %broadcast_in_dim3A_34 : vector<16xf32> to vector<1x16xf32>
    tpu.vector_store %arg7[%swap3A_269, %swap3A_270], %swap3A_273 {strides = array<i32>} : memref<16x128xf32, #tpu.memory_space<vmem>>, vector<1x16xf32>,
    %swap3A_274 = arith.constant 5 : i32
    %swap3A_275 = arith.index_cast %swap3A_274 : i32 to index
    %swap3A_276 = arith.constant 0 : index
    %swap3A_277 = tpu.vector_load %arg7[%swap3A_275, %swap3A_276] {strides = array<i32>} : memref<16x128xf32, #tpu.memory_space<vmem>>, vector<1x16xf32>,
    %swap3A_278 = vector.shape_cast %swap3A_277 : vector<1x16xf32> to vector<16xf32>
    %swap3A_279 = vector.shape_cast %broadcast_in_dim3A_34 : vector<16xf32> to vector<1x16xf32>
    tpu.vector_store %arg7[%swap3A_275, %swap3A_276], %swap3A_279 {strides = array<i32>} : memref<16x128xf32, #tpu.memory_space<vmem>>, vector<1x16xf32>,
    %swap3A_280 = arith.constant 5 : i32
    %swap3A_281 = arith.index_cast %swap3A_280 : i32 to index
    %swap3A_282 = arith.constant 16 : index
    %swap3A_283 = tpu.vector_load %arg7[%swap3A_281, %swap3A_282] {strides = array<i32>} : memref<16x128xf32, #tpu.memory_space<vmem>>, vector<1x16xf32>,
    %swap3A_284 = vector.shape_cast %swap3A_283 : vector<1x16xf32> to vector<16xf32>
    %swap3A_285 = vector.shape_cast %broadcast_in_dim3A_34 : vector<16xf32> to vector<1x16xf32>
    tpu.vector_store %arg7[%swap3A_281, %swap3A_282], %swap3A_285 {strides = array<i32>} : memref<16x128xf32, #tpu.memory_space<vmem>>, vector<1x16xf32>,
    %swap3A_286 = arith.constant 5 : i32
    %swap3A_287 = arith.index_cast %swap3A_286 : i32 to index
    %swap3A_288 = arith.constant 32 : index
    %swap3A_289 = tpu.vector_load %arg7[%swap3A_287, %swap3A_288] {strides = array<i32>} : memref<16x128xf32, #tpu.memory_space<vmem>>, vector<1x16xf32>,
    %swap3A_290 = vector.shape_cast %swap3A_289 : vector<1x16xf32> to vector<16xf32>
    %swap3A_291 = vector.shape_cast %broadcast_in_dim3A_34 : vector<16xf32> to vector<1x16xf32>
    tpu.vector_store %arg7[%swap3A_287, %swap3A_288], %swap3A_291 {strides = array<i32>} : memref<16x128xf32, #tpu.memory_space<vmem>>, vector<1x16xf32>,
    %swap3A_292 = arith.constant 5 : i32
    %swap3A_293 = arith.index_cast %swap3A_292 : i32 to index
    %swap3A_294 = arith.constant 48 : index
    %swap3A_295 = tpu.vector_load %arg7[%swap3A_293, %swap3A_294] {strides = array<i32>} : memref<16x128xf32, #tpu.memory_space<vmem>>, vector<1x16xf32>,
    %swap3A_296 = vector.shape_cast %swap3A_295 : vector<1x16xf32> to vector<16xf32>
    %swap3A_297 = vector.shape_cast %broadcast_in_dim3A_34 : vector<16xf32> to vector<1x16xf32>
    tpu.vector_store %arg7[%swap3A_293, %swap3A_294], %swap3A_297 {strides = array<i32>} : memref<16x128xf32, #tpu.memory_space<vmem>>, vector<1x16xf32>,
    %swap3A_298 = arith.constant 5 : i32
    %swap3A_299 = arith.index_cast %swap3A_298 : i32 to index
    %swap3A_300 = arith.constant 64 : index
    %swap3A_301 = tpu.vector_load %arg7[%swap3A_299, %swap3A_300] {strides = array<i32>} : memref<16x128xf32, #tpu.memory_space<vmem>>, vector<1x16xf32>,
    %swap3A_302 = vector.shape_cast %swap3A_301 : vector<1x16xf32> to vector<16xf32>
    %swap3A_303 = vector.shape_cast %broadcast_in_dim3A_34 : vector<16xf32> to vector<1x16xf32>
    tpu.vector_store %arg7[%swap3A_299, %swap3A_300], %swap3A_303 {strides = array<i32>} : memref<16x128xf32, #tpu.memory_space<vmem>>, vector<1x16xf32>,
    %swap3A_304 = arith.constant 5 : i32
    %swap3A_305 = arith.index_cast %swap3A_304 : i32 to index
    %swap3A_306 = arith.constant 80 : index
    %swap3A_307 = tpu.vector_load %arg7[%swap3A_305, %swap3A_306] {strides = array<i32>} : memref<16x128xf32, #tpu.memory_space<vmem>>, vector<1x16xf32>,
    %swap3A_308 = vector.shape_cast %swap3A_307 : vector<1x16xf32> to vector<16xf32>
    %swap3A_309 = vector.shape_cast %broadcast_in_dim3A_34 : vector<16xf32> to vector<1x16xf32>
    tpu.vector_store %arg7[%swap3A_305, %swap3A_306], %swap3A_309 {strides = array<i32>} : memref<16x128xf32, #tpu.memory_space<vmem>>, vector<1x16xf32>,
    %swap3A_310 = arith.constant 5 : i32
    %swap3A_311 = arith.index_cast %swap3A_310 : i32 to index
    %swap3A_312 = arith.constant 96 : index
    %swap3A_313 = tpu.vector_load %arg7[%swap3A_311, %swap3A_312] {strides = array<i32>} : memref<16x128xf32, #tpu.memory_space<vmem>>, vector<1x16xf32>,
    %swap3A_314 = vector.shape_cast %swap3A_313 : vector<1x16xf32> to vector<16xf32>
    %swap3A_315 = vector.shape_cast %broadcast_in_dim3A_34 : vector<16xf32> to vector<1x16xf32>
    tpu.vector_store %arg7[%swap3A_311, %swap3A_312], %swap3A_315 {strides = array<i32>} : memref<16x128xf32, #tpu.memory_space<vmem>>, vector<1x16xf32>,
    %swap3A_316 = arith.constant 5 : i32
    %swap3A_317 = arith.index_cast %swap3A_316 : i32 to index
    %swap3A_318 = arith.constant 112 : index
    %swap3A_319 = tpu.vector_load %arg7[%swap3A_317, %swap3A_318] {strides = array<i32>} : memref<16x128xf32, #tpu.memory_space<vmem>>, vector<1x16xf32>,
    %swap3A_320 = vector.shape_cast %swap3A_319 : vector<1x16xf32> to vector<16xf32>
    %swap3A_321 = vector.shape_cast %broadcast_in_dim3A_34 : vector<16xf32> to vector<1x16xf32>
    tpu.vector_store %arg7[%swap3A_317, %swap3A_318], %swap3A_321 {strides = array<i32>} : memref<16x128xf32, #tpu.memory_space<vmem>>, vector<1x16xf32>,
    %swap3A_322 = arith.constant 6 : i32
    %swap3A_323 = arith.index_cast %swap3A_322 : i32 to index
    %swap3A_324 = arith.constant 0 : index
    %swap3A_325 = tpu.vector_load %arg7[%swap3A_323, %swap3A_324] {strides = array<i32>} : memref<16x128xf32, #tpu.memory_space<vmem>>, vector<1x16xf32>,
    %swap3A_326 = vector.shape_cast %swap3A_325 : vector<1x16xf32> to vector<16xf32>
    %swap3A_327 = vector.shape_cast %broadcast_in_dim3A_34 : vector<16xf32> to vector<1x16xf32>
    tpu.vector_store %arg7[%swap3A_323, %swap3A_324], %swap3A_327 {strides = array<i32>} : memref<16x128xf32, #tpu.memory_space<vmem>>, vector<1x16xf32>,
    %swap3A_328 = arith.constant 6 : i32
    %swap3A_329 = arith.index_cast %swap3A_328 : i32 to index
    %swap3A_330 = arith.constant 16 : index
    %swap3A_331 = tpu.vector_load %arg7[%swap3A_329, %swap3A_330] {strides = array<i32>} : memref<16x128xf32, #tpu.memory_space<vmem>>, vector<1x16xf32>,
    %swap3A_332 = vector.shape_cast %swap3A_331 : vector<1x16xf32> to vector<16xf32>
    %swap3A_333 = vector.shape_cast %broadcast_in_dim3A_34 : vector<16xf32> to vector<1x16xf32>
    tpu.vector_store %arg7[%swap3A_329, %swap3A_330], %swap3A_333 {strides = array<i32>} : memref<16x128xf32, #tpu.memory_space<vmem>>, vector<1x16xf32>,
    %swap3A_334 = arith.constant 6 : i32
    %swap3A_335 = arith.index_cast %swap3A_334 : i32 to index
    %swap3A_336 = arith.constant 32 : index
    %swap3A_337 = tpu.vector_load %arg7[%swap3A_335, %swap3A_336] {strides = array<i32>} : memref<16x128xf32, #tpu.memory_space<vmem>>, vector<1x16xf32>,
    %swap3A_338 = vector.shape_cast %swap3A_337 : vector<1x16xf32> to vector<16xf32>
    %swap3A_339 = vector.shape_cast %broadcast_in_dim3A_34 : vector<16xf32> to vector<1x16xf32>
    tpu.vector_store %arg7[%swap3A_335, %swap3A_336], %swap3A_339 {strides = array<i32>} : memref<16x128xf32, #tpu.memory_space<vmem>>, vector<1x16xf32>,
    %swap3A_340 = arith.constant 6 : i32
    %swap3A_341 = arith.index_cast %swap3A_340 : i32 to index
    %swap3A_342 = arith.constant 48 : index
    %swap3A_343 = tpu.vector_load %arg7[%swap3A_341, %swap3A_342] {strides = array<i32>} : memref<16x128xf32, #tpu.memory_space<vmem>>, vector<1x16xf32>,
    %swap3A_344 = vector.shape_cast %swap3A_343 : vector<1x16xf32> to vector<16xf32>
    %swap3A_345 = vector.shape_cast %broadcast_in_dim3A_34 : vector<16xf32> to vector<1x16xf32>
    tpu.vector_store %arg7[%swap3A_341, %swap3A_342], %swap3A_345 {strides = array<i32>} : memref<16x128xf32, #tpu.memory_space<vmem>>, vector<1x16xf32>,
    %swap3A_346 = arith.constant 6 : i32
    %swap3A_347 = arith.index_cast %swap3A_346 : i32 to index
    %swap3A_348 = arith.constant 64 : index
    %swap3A_349 = tpu.vector_load %arg7[%swap3A_347, %swap3A_348] {strides = array<i32>} : memref<16x128xf32, #tpu.memory_space<vmem>>, vector<1x16xf32>,
    %swap3A_350 = vector.shape_cast %swap3A_349 : vector<1x16xf32> to vector<16xf32>
    %swap3A_351 = vector.shape_cast %broadcast_in_dim3A_34 : vector<16xf32> to vector<1x16xf32>
    tpu.vector_store %arg7[%swap3A_347, %swap3A_348], %swap3A_351 {strides = array<i32>} : memref<16x128xf32, #tpu.memory_space<vmem>>, vector<1x16xf32>,
    %swap3A_352 = arith.constant 6 : i32
    %swap3A_353 = arith.index_cast %swap3A_352 : i32 to index
    %swap3A_354 = arith.constant 80 : index
    %swap3A_355 = tpu.vector_load %arg7[%swap3A_353, %swap3A_354] {strides = array<i32>} : memref<16x128xf32, #tpu.memory_space<vmem>>, vector<1x16xf32>,
    %swap3A_356 = vector.shape_cast %swap3A_355 : vector<1x16xf32> to vector<16xf32>
    %swap3A_357 = vector.shape_cast %broadcast_in_dim3A_34 : vector<16xf32> to vector<1x16xf32>
    tpu.vector_store %arg7[%swap3A_353, %swap3A_354], %swap3A_357 {strides = array<i32>} : memref<16x128xf32, #tpu.memory_space<vmem>>, vector<1x16xf32>,
    %swap3A_358 = arith.constant 6 : i32
    %swap3A_359 = arith.index_cast %swap3A_358 : i32 to index
    %swap3A_360 = arith.constant 96 : index
    %swap3A_361 = tpu.vector_load %arg7[%swap3A_359, %swap3A_360] {strides = array<i32>} : memref<16x128xf32, #tpu.memory_space<vmem>>, vector<1x16xf32>,
    %swap3A_362 = vector.shape_cast %swap3A_361 : vector<1x16xf32> to vector<16xf32>
    %swap3A_363 = vector.shape_cast %broadcast_in_dim3A_34 : vector<16xf32> to vector<1x16xf32>
    tpu.vector_store %arg7[%swap3A_359, %swap3A_360], %swap3A_363 {strides = array<i32>} : memref<16x128xf32, #tpu.memory_space<vmem>>, vector<1x16xf32>,
    %swap3A_364 = arith.constant 6 : i32
    %swap3A_365 = arith.index_cast %swap3A_364 : i32 to index
    %swap3A_366 = arith.constant 112 : index
    %swap3A_367 = tpu.vector_load %arg7[%swap3A_365, %swap3A_366] {strides = array<i32>} : memref<16x128xf32, #tpu.memory_space<vmem>>, vector<1x16xf32>,
    %swap3A_368 = vector.shape_cast %swap3A_367 : vector<1x16xf32> to vector<16xf32>
    %swap3A_369 = vector.shape_cast %broadcast_in_dim3A_34 : vector<16xf32> to vector<1x16xf32>
    tpu.vector_store %arg7[%swap3A_365, %swap3A_366], %swap3A_369 {strides = array<i32>} : memref<16x128xf32, #tpu.memory_space<vmem>>, vector<1x16xf32>,
    %swap3A_370 = arith.constant 7 : i32
    %swap3A_371 = arith.index_cast %swap3A_370 : i32 to index
    %swap3A_372 = arith.constant 0 : index
    %swap3A_373 = tpu.vector_load %arg7[%swap3A_371, %swap3A_372] {strides = array<i32>} : memref<16x128xf32, #tpu.memory_space<vmem>>, vector<1x16xf32>,
    %swap3A_374 = vector.shape_cast %swap3A_373 : vector<1x16xf32> to vector<16xf32>
    %swap3A_375 = vector.shape_cast %broadcast_in_dim3A_34 : vector<16xf32> to vector<1x16xf32>
    tpu.vector_store %arg7[%swap3A_371, %swap3A_372], %swap3A_375 {strides = array<i32>} : memref<16x128xf32, #tpu.memory_space<vmem>>, vector<1x16xf32>,
    %swap3A_376 = arith.constant 7 : i32
    %swap3A_377 = arith.index_cast %swap3A_376 : i32 to index
    %swap3A_378 = arith.constant 16 : index
    %swap3A_379 = tpu.vector_load %arg7[%swap3A_377, %swap3A_378] {strides = array<i32>} : memref<16x128xf32, #tpu.memory_space<vmem>>, vector<1x16xf32>,
    %swap3A_380 = vector.shape_cast %swap3A_379 : vector<1x16xf32> to vector<16xf32>
    %swap3A_381 = vector.shape_cast %broadcast_in_dim3A_34 : vector<16xf32> to vector<1x16xf32>
    tpu.vector_store %arg7[%swap3A_377, %swap3A_378], %swap3A_381 {strides = array<i32>} : memref<16x128xf32, #tpu.memory_space<vmem>>, vector<1x16xf32>,
    %swap3A_382 = arith.constant 7 : i32
    %swap3A_383 = arith.index_cast %swap3A_382 : i32 to index
    %swap3A_384 = arith.constant 32 : index
    %swap3A_385 = tpu.vector_load %arg7[%swap3A_383, %swap3A_384] {strides = array<i32>} : memref<16x128xf32, #tpu.memory_space<vmem>>, vector<1x16xf32>,
    %swap3A_386 = vector.shape_cast %swap3A_385 : vector<1x16xf32> to vector<16xf32>
    %swap3A_387 = vector.shape_cast %broadcast_in_dim3A_34 : vector<16xf32> to vector<1x16xf32>
    tpu.vector_store %arg7[%swap3A_383, %swap3A_384], %swap3A_387 {strides = array<i32>} : memref<16x128xf32, #tpu.memory_space<vmem>>, vector<1x16xf32>,
    %swap3A_388 = arith.constant 7 : i32
    %swap3A_389 = arith.index_cast %swap3A_388 : i32 to index
    %swap3A_390 = arith.constant 48 : index
    %swap3A_391 = tpu.vector_load %arg7[%swap3A_389, %swap3A_390] {strides = array<i32>} : memref<16x128xf32, #tpu.memory_space<vmem>>, vector<1x16xf32>,
    %swap3A_392 = vector.shape_cast %swap3A_391 : vector<1x16xf32> to vector<16xf32>
    %swap3A_393 = vector.shape_cast %broadcast_in_dim3A_34 : vector<16xf32> to vector<1x16xf32>
    tpu.vector_store %arg7[%swap3A_389, %swap3A_390], %swap3A_393 {strides = array<i32>} : memref<16x128xf32, #tpu.memory_space<vmem>>, vector<1x16xf32>,
    %swap3A_394 = arith.constant 7 : i32
    %swap3A_395 = arith.index_cast %swap3A_394 : i32 to index
    %swap3A_396 = arith.constant 64 : index
    %swap3A_397 = tpu.vector_load %arg7[%swap3A_395, %swap3A_396] {strides = array<i32>} : memref<16x128xf32, #tpu.memory_space<vmem>>, vector<1x16xf32>,
    %swap3A_398 = vector.shape_cast %swap3A_397 : vector<1x16xf32> to vector<16xf32>
    %swap3A_399 = vector.shape_cast %broadcast_in_dim3A_34 : vector<16xf32> to vector<1x16xf32>
    tpu.vector_store %arg7[%swap3A_395, %swap3A_396], %swap3A_399 {strides = array<i32>} : memref<16x128xf32, #tpu.memory_space<vmem>>, vector<1x16xf32>,
    %swap3A_400 = arith.constant 7 : i32
    %swap3A_401 = arith.index_cast %swap3A_400 : i32 to index
    %swap3A_402 = arith.constant 80 : index
    %swap3A_403 = tpu.vector_load %arg7[%swap3A_401, %swap3A_402] {strides = array<i32>} : memref<16x128xf32, #tpu.memory_space<vmem>>, vector<1x16xf32>,
    %swap3A_404 = vector.shape_cast %swap3A_403 : vector<1x16xf32> to vector<16xf32>
    %swap3A_405 = vector.shape_cast %broadcast_in_dim3A_34 : vector<16xf32> to vector<1x16xf32>
    tpu.vector_store %arg7[%swap3A_401, %swap3A_402], %swap3A_405 {strides = array<i32>} : memref<16x128xf32, #tpu.memory_space<vmem>>, vector<1x16xf32>,
    %swap3A_406 = arith.constant 7 : i32
    %swap3A_407 = arith.index_cast %swap3A_406 : i32 to index
    %swap3A_408 = arith.constant 96 : index
    %swap3A_409 = tpu.vector_load %arg7[%swap3A_407, %swap3A_408] {strides = array<i32>} : memref<16x128xf32, #tpu.memory_space<vmem>>, vector<1x16xf32>,
    %swap3A_410 = vector.shape_cast %swap3A_409 : vector<1x16xf32> to vector<16xf32>
    %swap3A_411 = vector.shape_cast %broadcast_in_dim3A_34 : vector<16xf32> to vector<1x16xf32>
    tpu.vector_store %arg7[%swap3A_407, %swap3A_408], %swap3A_411 {strides = array<i32>} : memref<16x128xf32, #tpu.memory_space<vmem>>, vector<1x16xf32>,
    %swap3A_412 = arith.constant 7 : i32
    %swap3A_413 = arith.index_cast %swap3A_412 : i32 to index
    %swap3A_414 = arith.constant 112 : index
    %swap3A_415 = tpu.vector_load %arg7[%swap3A_413, %swap3A_414] {strides = array<i32>} : memref<16x128xf32, #tpu.memory_space<vmem>>, vector<1x16xf32>,
    %swap3A_416 = vector.shape_cast %swap3A_415 : vector<1x16xf32> to vector<16xf32>
    %swap3A_417 = vector.shape_cast %broadcast_in_dim3A_34 : vector<16xf32> to vector<1x16xf32>
    tpu.vector_store %arg7[%swap3A_413, %swap3A_414], %swap3A_417 {strides = array<i32>} : memref<16x128xf32, #tpu.memory_space<vmem>>, vector<1x16xf32>,
    %swap3A_418 = arith.constant 8 : i32
    %swap3A_419 = arith.index_cast %swap3A_418 : i32 to index
    %swap3A_420 = arith.constant 0 : index
    %swap3A_421 = tpu.vector_load %arg7[%swap3A_419, %swap3A_420] {strides = array<i32>} : memref<16x128xf32, #tpu.memory_space<vmem>>, vector<1x16xf32>,
    %swap3A_422 = vector.shape_cast %swap3A_421 : vector<1x16xf32> to vector<16xf32>
    %swap3A_423 = vector.shape_cast %broadcast_in_dim3A_34 : vector<16xf32> to vector<1x16xf32>
    tpu.vector_store %arg7[%swap3A_419, %swap3A_420], %swap3A_423 {strides = array<i32>} : memref<16x128xf32, #tpu.memory_space<vmem>>, vector<1x16xf32>,
    %swap3A_424 = arith.constant 8 : i32
    %swap3A_425 = arith.index_cast %swap3A_424 : i32 to index
    %swap3A_426 = arith.constant 16 : index
    %swap3A_427 = tpu.vector_load %arg7[%swap3A_425, %swap3A_426] {strides = array<i32>} : memref<16x128xf32, #tpu.memory_space<vmem>>, vector<1x16xf32>,
    %swap3A_428 = vector.shape_cast %swap3A_427 : vector<1x16xf32> to vector<16xf32>
    %swap3A_429 = vector.shape_cast %broadcast_in_dim3A_34 : vector<16xf32> to vector<1x16xf32>
    tpu.vector_store %arg7[%swap3A_425, %swap3A_426], %swap3A_429 {strides = array<i32>} : memref<16x128xf32, #tpu.memory_space<vmem>>, vector<1x16xf32>,
    %swap3A_430 = arith.constant 8 : i32
    %swap3A_431 = arith.index_cast %swap3A_430 : i32 to index
    %swap3A_432 = arith.constant 32 : index
    %swap3A_433 = tpu.vector_load %arg7[%swap3A_431, %swap3A_432] {strides = array<i32>} : memref<16x128xf32, #tpu.memory_space<vmem>>, vector<1x16xf32>,
    %swap3A_434 = vector.shape_cast %swap3A_433 : vector<1x16xf32> to vector<16xf32>
    %swap3A_435 = vector.shape_cast %broadcast_in_dim3A_34 : vector<16xf32> to vector<1x16xf32>
    tpu.vector_store %arg7[%swap3A_431, %swap3A_432], %swap3A_435 {strides = array<i32>} : memref<16x128xf32, #tpu.memory_space<vmem>>, vector<1x16xf32>,
    %swap3A_436 = arith.constant 8 : i32
    %swap3A_437 = arith.index_cast %swap3A_436 : i32 to index
    %swap3A_438 = arith.constant 48 : index
    %swap3A_439 = tpu.vector_load %arg7[%swap3A_437, %swap3A_438] {strides = array<i32>} : memref<16x128xf32, #tpu.memory_space<vmem>>, vector<1x16xf32>,
    %swap3A_440 = vector.shape_cast %swap3A_439 : vector<1x16xf32> to vector<16xf32>
    %swap3A_441 = vector.shape_cast %broadcast_in_dim3A_34 : vector<16xf32> to vector<1x16xf32>
    tpu.vector_store %arg7[%swap3A_437, %swap3A_438], %swap3A_441 {strides = array<i32>} : memref<16x128xf32, #tpu.memory_space<vmem>>, vector<1x16xf32>,
    %swap3A_442 = arith.constant 8 : i32
    %swap3A_443 = arith.index_cast %swap3A_442 : i32 to index
    %swap3A_444 = arith.constant 64 : index
    %swap3A_445 = tpu.vector_load %arg7[%swap3A_443, %swap3A_444] {strides = array<i32>} : memref<16x128xf32, #tpu.memory_space<vmem>>, vector<1x16xf32>,
    %swap3A_446 = vector.shape_cast %swap3A_445 : vector<1x16xf32> to vector<16xf32>
    %swap3A_447 = vector.shape_cast %broadcast_in_dim3A_34 : vector<16xf32> to vector<1x16xf32>
    tpu.vector_store %arg7[%swap3A_443, %swap3A_444], %swap3A_447 {strides = array<i32>} : memref<16x128xf32, #tpu.memory_space<vmem>>, vector<1x16xf32>,
    %swap3A_448 = arith.constant 8 : i32
    %swap3A_449 = arith.index_cast %swap3A_448 : i32 to index
    %swap3A_450 = arith.constant 80 : index
    %swap3A_451 = tpu.vector_load %arg7[%swap3A_449, %swap3A_450] {strides = array<i32>} : memref<16x128xf32, #tpu.memory_space<vmem>>, vector<1x16xf32>,
    %swap3A_452 = vector.shape_cast %swap3A_451 : vector<1x16xf32> to vector<16xf32>
    %swap3A_453 = vector.shape_cast %broadcast_in_dim3A_34 : vector<16xf32> to vector<1x16xf32>
    tpu.vector_store %arg7[%swap3A_449, %swap3A_450], %swap3A_453 {strides = array<i32>} : memref<16x128xf32, #tpu.memory_space<vmem>>, vector<1x16xf32>,
    %swap3A_454 = arith.constant 8 : i32
    %swap3A_455 = arith.index_cast %swap3A_454 : i32 to index
    %swap3A_456 = arith.constant 96 : index
    %swap3A_457 = tpu.vector_load %arg7[%swap3A_455, %swap3A_456] {strides = array<i32>} : memref<16x128xf32, #tpu.memory_space<vmem>>, vector<1x16xf32>,
    %swap3A_458 = vector.shape_cast %swap3A_457 : vector<1x16xf32> to vector<16xf32>
    %swap3A_459 = vector.shape_cast %broadcast_in_dim3A_34 : vector<16xf32> to vector<1x16xf32>
    tpu.vector_store %arg7[%swap3A_455, %swap3A_456], %swap3A_459 {strides = array<i32>} : memref<16x128xf32, #tpu.memory_space<vmem>>, vector<1x16xf32>,
    %swap3A_460 = arith.constant 8 : i32
    %swap3A_461 = arith.index_cast %swap3A_460 : i32 to index
    %swap3A_462 = arith.constant 112 : index
    %swap3A_463 = tpu.vector_load %arg7[%swap3A_461, %swap3A_462] {strides = array<i32>} : memref<16x128xf32, #tpu.memory_space<vmem>>, vector<1x16xf32>,
    %swap3A_464 = vector.shape_cast %swap3A_463 : vector<1x16xf32> to vector<16xf32>
    %swap3A_465 = vector.shape_cast %broadcast_in_dim3A_34 : vector<16xf32> to vector<1x16xf32>
    tpu.vector_store %arg7[%swap3A_461, %swap3A_462], %swap3A_465 {strides = array<i32>} : memref<16x128xf32, #tpu.memory_space<vmem>>, vector<1x16xf32>,
    %swap3A_466 = arith.constant 9 : i32
    %swap3A_467 = arith.index_cast %swap3A_466 : i32 to index
    %swap3A_468 = arith.constant 0 : index
    %swap3A_469 = tpu.vector_load %arg7[%swap3A_467, %swap3A_468] {strides = array<i32>} : memref<16x128xf32, #tpu.memory_space<vmem>>, vector<1x16xf32>,
    %swap3A_470 = vector.shape_cast %swap3A_469 : vector<1x16xf32> to vector<16xf32>
    %swap3A_471 = vector.shape_cast %broadcast_in_dim3A_34 : vector<16xf32> to vector<1x16xf32>
    tpu.vector_store %arg7[%swap3A_467, %swap3A_468], %swap3A_471 {strides = array<i32>} : memref<16x128xf32, #tpu.memory_space<vmem>>, vector<1x16xf32>,
    %swap3A_472 = arith.constant 9 : i32
    %swap3A_473 = arith.index_cast %swap3A_472 : i32 to index
    %swap3A_474 = arith.constant 16 : index
    %swap3A_475 = tpu.vector_load %arg7[%swap3A_473, %swap3A_474] {strides = array<i32>} : memref<16x128xf32, #tpu.memory_space<vmem>>, vector<1x16xf32>,
    %swap3A_476 = vector.shape_cast %swap3A_475 : vector<1x16xf32> to vector<16xf32>
    %swap3A_477 = vector.shape_cast %broadcast_in_dim3A_34 : vector<16xf32> to vector<1x16xf32>
    tpu.vector_store %arg7[%swap3A_473, %swap3A_474], %swap3A_477 {strides = array<i32>} : memref<16x128xf32, #tpu.memory_space<vmem>>, vector<1x16xf32>,
    %swap3A_478 = arith.constant 9 : i32
    %swap3A_479 = arith.index_cast %swap3A_478 : i32 to index
    %swap3A_480 = arith.constant 32 : index
    %swap3A_481 = tpu.vector_load %arg7[%swap3A_479, %swap3A_480] {strides = array<i32>} : memref<16x128xf32, #tpu.memory_space<vmem>>, vector<1x16xf32>,
    %swap3A_482 = vector.shape_cast %swap3A_481 : vector<1x16xf32> to vector<16xf32>
    %swap3A_483 = vector.shape_cast %broadcast_in_dim3A_34 : vector<16xf32> to vector<1x16xf32>
    tpu.vector_store %arg7[%swap3A_479, %swap3A_480], %swap3A_483 {strides = array<i32>} : memref<16x128xf32, #tpu.memory_space<vmem>>, vector<1x16xf32>,
    %swap3A_484 = arith.constant 9 : i32
    %swap3A_485 = arith.index_cast %swap3A_484 : i32 to index
    %swap3A_486 = arith.constant 48 : index
    %swap3A_487 = tpu.vector_load %arg7[%swap3A_485, %swap3A_486] {strides = array<i32>} : memref<16x128xf32, #tpu.memory_space<vmem>>, vector<1x16xf32>,
    %swap3A_488 = vector.shape_cast %swap3A_487 : vector<1x16xf32> to vector<16xf32>
    %swap3A_489 = vector.shape_cast %broadcast_in_dim3A_34 : vector<16xf32> to vector<1x16xf32>
    tpu.vector_store %arg7[%swap3A_485, %swap3A_486], %swap3A_489 {strides = array<i32>} : memref<16x128xf32, #tpu.memory_space<vmem>>, vector<1x16xf32>,
    %swap3A_490 = arith.constant 9 : i32
    %swap3A_491 = arith.index_cast %swap3A_490 : i32 to index
    %swap3A_492 = arith.constant 64 : index
    %swap3A_493 = tpu.vector_load %arg7[%swap3A_491, %swap3A_492] {strides = array<i32>} : memref<16x128xf32, #tpu.memory_space<vmem>>, vector<1x16xf32>,
    %swap3A_494 = vector.shape_cast %swap3A_493 : vector<1x16xf32> to vector<16xf32>
    %swap3A_495 = vector.shape_cast %broadcast_in_dim3A_34 : vector<16xf32> to vector<1x16xf32>
    tpu.vector_store %arg7[%swap3A_491, %swap3A_492], %swap3A_495 {strides = array<i32>} : memref<16x128xf32, #tpu.memory_space<vmem>>, vector<1x16xf32>,
    %swap3A_496 = arith.constant 9 : i32
    %swap3A_497 = arith.index_cast %swap3A_496 : i32 to index
    %swap3A_498 = arith.constant 80 : index
    %swap3A_499 = tpu.vector_load %arg7[%swap3A_497, %swap3A_498] {strides = array<i32>} : memref<16x128xf32, #tpu.memory_space<vmem>>, vector<1x16xf32>,
    %swap3A_500 = vector.shape_cast %swap3A_499 : vector<1x16xf32> to vector<16xf32>
    %swap3A_501 = vector.shape_cast %broadcast_in_dim3A_34 : vector<16xf32> to vector<1x16xf32>
    tpu.vector_store %arg7[%swap3A_497, %swap3A_498], %swap3A_501 {strides = array<i32>} : memref<16x128xf32, #tpu.memory_space<vmem>>, vector<1x16xf32>,
    %swap3A_502 = arith.constant 9 : i32
    %swap3A_503 = arith.index_cast %swap3A_502 : i32 to index
    %swap3A_504 = arith.constant 96 : index
    %swap3A_505 = tpu.vector_load %arg7[%swap3A_503, %swap3A_504] {strides = array<i32>} : memref<16x128xf32, #tpu.memory_space<vmem>>, vector<1x16xf32>,
    %swap3A_506 = vector.shape_cast %swap3A_505 : vector<1x16xf32> to vector<16xf32>
    %swap3A_507 = vector.shape_cast %broadcast_in_dim3A_34 : vector<16xf32> to vector<1x16xf32>
    tpu.vector_store %arg7[%swap3A_503, %swap3A_504], %swap3A_507 {strides = array<i32>} : memref<16x128xf32, #tpu.memory_space<vmem>>, vector<1x16xf32>,
    %swap3A_508 = arith.constant 9 : i32
    %swap3A_509 = arith.index_cast %swap3A_508 : i32 to index
    %swap3A_510 = arith.constant 112 : index
    %swap3A_511 = tpu.vector_load %arg7[%swap3A_509, %swap3A_510] {strides = array<i32>} : memref<16x128xf32, #tpu.memory_space<vmem>>, vector<1x16xf32>,
    %swap3A_512 = vector.shape_cast %swap3A_511 : vector<1x16xf32> to vector<16xf32>
    %swap3A_513 = vector.shape_cast %broadcast_in_dim3A_34 : vector<16xf32> to vector<1x16xf32>
    tpu.vector_store %arg7[%swap3A_509, %swap3A_510], %swap3A_513 {strides = array<i32>} : memref<16x128xf32, #tpu.memory_space<vmem>>, vector<1x16xf32>,
    %swap3A_514 = arith.constant 10 : i32
    %swap3A_515 = arith.index_cast %swap3A_514 : i32 to index
    %swap3A_516 = arith.constant 0 : index
    %swap3A_517 = tpu.vector_load %arg7[%swap3A_515, %swap3A_516] {strides = array<i32>} : memref<16x128xf32, #tpu.memory_space<vmem>>, vector<1x16xf32>,
    %swap3A_518 = vector.shape_cast %swap3A_517 : vector<1x16xf32> to vector<16xf32>
    %swap3A_519 = vector.shape_cast %broadcast_in_dim3A_34 : vector<16xf32> to vector<1x16xf32>
    tpu.vector_store %arg7[%swap3A_515, %swap3A_516], %swap3A_519 {strides = array<i32>} : memref<16x128xf32, #tpu.memory_space<vmem>>, vector<1x16xf32>,
    %swap3A_520 = arith.constant 10 : i32
    %swap3A_521 = arith.index_cast %swap3A_520 : i32 to index
    %swap3A_522 = arith.constant 16 : index
    %swap3A_523 = tpu.vector_load %arg7[%swap3A_521, %swap3A_522] {strides = array<i32>} : memref<16x128xf32, #tpu.memory_space<vmem>>, vector<1x16xf32>,
    %swap3A_524 = vector.shape_cast %swap3A_523 : vector<1x16xf32> to vector<16xf32>
    %swap3A_525 = vector.shape_cast %broadcast_in_dim3A_34 : vector<16xf32> to vector<1x16xf32>
    tpu.vector_store %arg7[%swap3A_521, %swap3A_522], %swap3A_525 {strides = array<i32>} : memref<16x128xf32, #tpu.memory_space<vmem>>, vector<1x16xf32>,
    %swap3A_526 = arith.constant 10 : i32
    %swap3A_527 = arith.index_cast %swap3A_526 : i32 to index
    %swap3A_528 = arith.constant 32 : index
    %swap3A_529 = tpu.vector_load %arg7[%swap3A_527, %swap3A_528] {strides = array<i32>} : memref<16x128xf32, #tpu.memory_space<vmem>>, vector<1x16xf32>,
    %swap3A_530 = vector.shape_cast %swap3A_529 : vector<1x16xf32> to vector<16xf32>
    %swap3A_531 = vector.shape_cast %broadcast_in_dim3A_34 : vector<16xf32> to vector<1x16xf32>
    tpu.vector_store %arg7[%swap3A_527, %swap3A_528], %swap3A_531 {strides = array<i32>} : memref<16x128xf32, #tpu.memory_space<vmem>>, vector<1x16xf32>,
    %swap3A_532 = arith.constant 10 : i32
    %swap3A_533 = arith.index_cast %swap3A_532 : i32 to index
    %swap3A_534 = arith.constant 48 : index
    %swap3A_535 = tpu.vector_load %arg7[%swap3A_533, %swap3A_534] {strides = array<i32>} : memref<16x128xf32, #tpu.memory_space<vmem>>, vector<1x16xf32>,
    %swap3A_536 = vector.shape_cast %swap3A_535 : vector<1x16xf32> to vector<16xf32>
    %swap3A_537 = vector.shape_cast %broadcast_in_dim3A_34 : vector<16xf32> to vector<1x16xf32>
    tpu.vector_store %arg7[%swap3A_533, %swap3A_534], %swap3A_537 {strides = array<i32>} : memref<16x128xf32, #tpu.memory_space<vmem>>, vector<1x16xf32>,
    %swap3A_538 = arith.constant 10 : i32
    %swap3A_539 = arith.index_cast %swap3A_538 : i32 to index
    %swap3A_540 = arith.constant 64 : index
    %swap3A_541 = tpu.vector_load %arg7[%swap3A_539, %swap3A_540] {strides = array<i32>} : memref<16x128xf32, #tpu.memory_space<vmem>>, vector<1x16xf32>,
    %swap3A_542 = vector.shape_cast %swap3A_541 : vector<1x16xf32> to vector<16xf32>
    %swap3A_543 = vector.shape_cast %broadcast_in_dim3A_34 : vector<16xf32> to vector<1x16xf32>
    tpu.vector_store %arg7[%swap3A_539, %swap3A_540], %swap3A_543 {strides = array<i32>} : memref<16x128xf32, #tpu.memory_space<vmem>>, vector<1x16xf32>,
    %swap3A_544 = arith.constant 10 : i32
    %swap3A_545 = arith.index_cast %swap3A_544 : i32 to index
    %swap3A_546 = arith.constant 80 : index
    %swap3A_547 = tpu.vector_load %arg7[%swap3A_545, %swap3A_546] {strides = array<i32>} : memref<16x128xf32, #tpu.memory_space<vmem>>, vector<1x16xf32>,
    %swap3A_548 = vector.shape_cast %swap3A_547 : vector<1x16xf32> to vector<16xf32>
    %swap3A_549 = vector.shape_cast %broadcast_in_dim3A_34 : vector<16xf32> to vector<1x16xf32>
    tpu.vector_store %arg7[%swap3A_545, %swap3A_546], %swap3A_549 {strides = array<i32>} : memref<16x128xf32, #tpu.memory_space<vmem>>, vector<1x16xf32>,
    %swap3A_550 = arith.constant 10 : i32
    %swap3A_551 = arith.index_cast %swap3A_550 : i32 to index
    %swap3A_552 = arith.constant 96 : index
    %swap3A_553 = tpu.vector_load %arg7[%swap3A_551, %swap3A_552] {strides = array<i32>} : memref<16x128xf32, #tpu.memory_space<vmem>>, vector<1x16xf32>,
    %swap3A_554 = vector.shape_cast %swap3A_553 : vector<1x16xf32> to vector<16xf32>
    %swap3A_555 = vector.shape_cast %broadcast_in_dim3A_34 : vector<16xf32> to vector<1x16xf32>
    tpu.vector_store %arg7[%swap3A_551, %swap3A_552], %swap3A_555 {strides = array<i32>} : memref<16x128xf32, #tpu.memory_space<vmem>>, vector<1x16xf32>,
    %swap3A_556 = arith.constant 10 : i32
    %swap3A_557 = arith.index_cast %swap3A_556 : i32 to index
    %swap3A_558 = arith.constant 112 : index
    %swap3A_559 = tpu.vector_load %arg7[%swap3A_557, %swap3A_558] {strides = array<i32>} : memref<16x128xf32, #tpu.memory_space<vmem>>, vector<1x16xf32>,
    %swap3A_560 = vector.shape_cast %swap3A_559 : vector<1x16xf32> to vector<16xf32>
    %swap3A_561 = vector.shape_cast %broadcast_in_dim3A_34 : vector<16xf32> to vector<1x16xf32>
    tpu.vector_store %arg7[%swap3A_557, %swap3A_558], %swap3A_561 {strides = array<i32>} : memref<16x128xf32, #tpu.memory_space<vmem>>, vector<1x16xf32>,
    %swap3A_562 = arith.constant 11 : i32
    %swap3A_563 = arith.index_cast %swap3A_562 : i32 to index
    %swap3A_564 = arith.constant 0 : index
    %swap3A_565 = tpu.vector_load %arg7[%swap3A_563, %swap3A_564] {strides = array<i32>} : memref<16x128xf32, #tpu.memory_space<vmem>>, vector<1x16xf32>,
    %swap3A_566 = vector.shape_cast %swap3A_565 : vector<1x16xf32> to vector<16xf32>
    %swap3A_567 = vector.shape_cast %broadcast_in_dim3A_34 : vector<16xf32> to vector<1x16xf32>
    tpu.vector_store %arg7[%swap3A_563, %swap3A_564], %swap3A_567 {strides = array<i32>} : memref<16x128xf32, #tpu.memory_space<vmem>>, vector<1x16xf32>,
    %swap3A_568 = arith.constant 11 : i32
    %swap3A_569 = arith.index_cast %swap3A_568 : i32 to index
    %swap3A_570 = arith.constant 16 : index
    %swap3A_571 = tpu.vector_load %arg7[%swap3A_569, %swap3A_570] {strides = array<i32>} : memref<16x128xf32, #tpu.memory_space<vmem>>, vector<1x16xf32>,
    %swap3A_572 = vector.shape_cast %swap3A_571 : vector<1x16xf32> to vector<16xf32>
    %swap3A_573 = vector.shape_cast %broadcast_in_dim3A_34 : vector<16xf32> to vector<1x16xf32>
    tpu.vector_store %arg7[%swap3A_569, %swap3A_570], %swap3A_573 {strides = array<i32>} : memref<16x128xf32, #tpu.memory_space<vmem>>, vector<1x16xf32>,
    %swap3A_574 = arith.constant 11 : i32
    %swap3A_575 = arith.index_cast %swap3A_574 : i32 to index
    %swap3A_576 = arith.constant 32 : index
    %swap3A_577 = tpu.vector_load %arg7[%swap3A_575, %swap3A_576] {strides = array<i32>} : memref<16x128xf32, #tpu.memory_space<vmem>>, vector<1x16xf32>,
    %swap3A_578 = vector.shape_cast %swap3A_577 : vector<1x16xf32> to vector<16xf32>
    %swap3A_579 = vector.shape_cast %broadcast_in_dim3A_34 : vector<16xf32> to vector<1x16xf32>
    tpu.vector_store %arg7[%swap3A_575, %swap3A_576], %swap3A_579 {strides = array<i32>} : memref<16x128xf32, #tpu.memory_space<vmem>>, vector<1x16xf32>,
    %swap3A_580 = arith.constant 11 : i32
    %swap3A_581 = arith.index_cast %swap3A_580 : i32 to index
    %swap3A_582 = arith.constant 48 : index
    %swap3A_583 = tpu.vector_load %arg7[%swap3A_581, %swap3A_582] {strides = array<i32>} : memref<16x128xf32, #tpu.memory_space<vmem>>, vector<1x16xf32>,
    %swap3A_584 = vector.shape_cast %swap3A_583 : vector<1x16xf32> to vector<16xf32>
    %swap3A_585 = vector.shape_cast %broadcast_in_dim3A_34 : vector<16xf32> to vector<1x16xf32>
    tpu.vector_store %arg7[%swap3A_581, %swap3A_582], %swap3A_585 {strides = array<i32>} : memref<16x128xf32, #tpu.memory_space<vmem>>, vector<1x16xf32>,
    %swap3A_586 = arith.constant 11 : i32
    %swap3A_587 = arith.index_cast %swap3A_586 : i32 to index
    %swap3A_588 = arith.constant 64 : index
    %swap3A_589 = tpu.vector_load %arg7[%swap3A_587, %swap3A_588] {strides = array<i32>} : memref<16x128xf32, #tpu.memory_space<vmem>>, vector<1x16xf32>,
    %swap3A_590 = vector.shape_cast %swap3A_589 : vector<1x16xf32> to vector<16xf32>
    %swap3A_591 = vector.shape_cast %broadcast_in_dim3A_34 : vector<16xf32> to vector<1x16xf32>
    tpu.vector_store %arg7[%swap3A_587, %swap3A_588], %swap3A_591 {strides = array<i32>} : memref<16x128xf32, #tpu.memory_space<vmem>>, vector<1x16xf32>,
    %swap3A_592 = arith.constant 11 : i32
    %swap3A_593 = arith.index_cast %swap3A_592 : i32 to index
    %swap3A_594 = arith.constant 80 : index
    %swap3A_595 = tpu.vector_load %arg7[%swap3A_593, %swap3A_594] {strides = array<i32>} : memref<16x128xf32, #tpu.memory_space<vmem>>, vector<1x16xf32>,
    %swap3A_596 = vector.shape_cast %swap3A_595 : vector<1x16xf32> to vector<16xf32>
    %swap3A_597 = vector.shape_cast %broadcast_in_dim3A_34 : vector<16xf32> to vector<1x16xf32>
    tpu.vector_store %arg7[%swap3A_593, %swap3A_594], %swap3A_597 {strides = array<i32>} : memref<16x128xf32, #tpu.memory_space<vmem>>, vector<1x16xf32>,
    %swap3A_598 = arith.constant 11 : i32
    %swap3A_599 = arith.index_cast %swap3A_598 : i32 to index
    %swap3A_600 = arith.constant 96 : index
    %swap3A_601 = tpu.vector_load %arg7[%swap3A_599, %swap3A_600] {strides = array<i32>} : memref<16x128xf32, #tpu.memory_space<vmem>>, vector<1x16xf32>,
    %swap3A_602 = vector.shape_cast %swap3A_601 : vector<1x16xf32> to vector<16xf32>
    %swap3A_603 = vector.shape_cast %broadcast_in_dim3A_34 : vector<16xf32> to vector<1x16xf32>
    tpu.vector_store %arg7[%swap3A_599, %swap3A_600], %swap3A_603 {strides = array<i32>} : memref<16x128xf32, #tpu.memory_space<vmem>>, vector<1x16xf32>,
    %swap3A_604 = arith.constant 11 : i32
    %swap3A_605 = arith.index_cast %swap3A_604 : i32 to index
    %swap3A_606 = arith.constant 112 : index
    %swap3A_607 = tpu.vector_load %arg7[%swap3A_605, %swap3A_606] {strides = array<i32>} : memref<16x128xf32, #tpu.memory_space<vmem>>, vector<1x16xf32>,
    %swap3A_608 = vector.shape_cast %swap3A_607 : vector<1x16xf32> to vector<16xf32>
    %swap3A_609 = vector.shape_cast %broadcast_in_dim3A_34 : vector<16xf32> to vector<1x16xf32>
    tpu.vector_store %arg7[%swap3A_605, %swap3A_606], %swap3A_609 {strides = array<i32>} : memref<16x128xf32, #tpu.memory_space<vmem>>, vector<1x16xf32>,
    %swap3A_610 = arith.constant 12 : i32
    %swap3A_611 = arith.index_cast %swap3A_610 : i32 to index
    %swap3A_612 = arith.constant 0 : index
    %swap3A_613 = tpu.vector_load %arg7[%swap3A_611, %swap3A_612] {strides = array<i32>} : memref<16x128xf32, #tpu.memory_space<vmem>>, vector<1x16xf32>,
    %swap3A_614 = vector.shape_cast %swap3A_613 : vector<1x16xf32> to vector<16xf32>
    %swap3A_615 = vector.shape_cast %broadcast_in_dim3A_34 : vector<16xf32> to vector<1x16xf32>
    tpu.vector_store %arg7[%swap3A_611, %swap3A_612], %swap3A_615 {strides = array<i32>} : memref<16x128xf32, #tpu.memory_space<vmem>>, vector<1x16xf32>,
    %swap3A_616 = arith.constant 12 : i32
    %swap3A_617 = arith.index_cast %swap3A_616 : i32 to index
    %swap3A_618 = arith.constant 16 : index
    %swap3A_619 = tpu.vector_load %arg7[%swap3A_617, %swap3A_618] {strides = array<i32>} : memref<16x128xf32, #tpu.memory_space<vmem>>, vector<1x16xf32>,
    %swap3A_620 = vector.shape_cast %swap3A_619 : vector<1x16xf32> to vector<16xf32>
    %swap3A_621 = vector.shape_cast %broadcast_in_dim3A_34 : vector<16xf32> to vector<1x16xf32>
    tpu.vector_store %arg7[%swap3A_617, %swap3A_618], %swap3A_621 {strides = array<i32>} : memref<16x128xf32, #tpu.memory_space<vmem>>, vector<1x16xf32>,
    %swap3A_622 = arith.constant 12 : i32
    %swap3A_623 = arith.index_cast %swap3A_622 : i32 to index
    %swap3A_624 = arith.constant 32 : index
    %swap3A_625 = tpu.vector_load %arg7[%swap3A_623, %swap3A_624] {strides = array<i32>} : memref<16x128xf32, #tpu.memory_space<vmem>>, vector<1x16xf32>,
    %swap3A_626 = vector.shape_cast %swap3A_625 : vector<1x16xf32> to vector<16xf32>
    %swap3A_627 = vector.shape_cast %broadcast_in_dim3A_34 : vector<16xf32> to vector<1x16xf32>
    tpu.vector_store %arg7[%swap3A_623, %swap3A_624], %swap3A_627 {strides = array<i32>} : memref<16x128xf32, #tpu.memory_space<vmem>>, vector<1x16xf32>,
    %swap3A_628 = arith.constant 12 : i32
    %swap3A_629 = arith.index_cast %swap3A_628 : i32 to index
    %swap3A_630 = arith.constant 48 : index
    %swap3A_631 = tpu.vector_load %arg7[%swap3A_629, %swap3A_630] {strides = array<i32>} : memref<16x128xf32, #tpu.memory_space<vmem>>, vector<1x16xf32>,
    %swap3A_632 = vector.shape_cast %swap3A_631 : vector<1x16xf32> to vector<16xf32>
    %swap3A_633 = vector.shape_cast %broadcast_in_dim3A_34 : vector<16xf32> to vector<1x16xf32>
    tpu.vector_store %arg7[%swap3A_629, %swap3A_630], %swap3A_633 {strides = array<i32>} : memref<16x128xf32, #tpu.memory_space<vmem>>, vector<1x16xf32>,
    %swap3A_634 = arith.constant 12 : i32
    %swap3A_635 = arith.index_cast %swap3A_634 : i32 to index
    %swap3A_636 = arith.constant 64 : index
    %swap3A_637 = tpu.vector_load %arg7[%swap3A_635, %swap3A_636] {strides = array<i32>} : memref<16x128xf32, #tpu.memory_space<vmem>>, vector<1x16xf32>,
    %swap3A_638 = vector.shape_cast %swap3A_637 : vector<1x16xf32> to vector<16xf32>
    %swap3A_639 = vector.shape_cast %broadcast_in_dim3A_34 : vector<16xf32> to vector<1x16xf32>
    tpu.vector_store %arg7[%swap3A_635, %swap3A_636], %swap3A_639 {strides = array<i32>} : memref<16x128xf32, #tpu.memory_space<vmem>>, vector<1x16xf32>,
    %swap3A_640 = arith.constant 12 : i32
    %swap3A_641 = arith.index_cast %swap3A_640 : i32 to index
    %swap3A_642 = arith.constant 80 : index
    %swap3A_643 = tpu.vector_load %arg7[%swap3A_641, %swap3A_642] {strides = array<i32>} : memref<16x128xf32, #tpu.memory_space<vmem>>, vector<1x16xf32>,
    %swap3A_644 = vector.shape_cast %swap3A_643 : vector<1x16xf32> to vector<16xf32>
    %swap3A_645 = vector.shape_cast %broadcast_in_dim3A_34 : vector<16xf32> to vector<1x16xf32>
    tpu.vector_store %arg7[%swap3A_641, %swap3A_642], %swap3A_645 {strides = array<i32>} : memref<16x128xf32, #tpu.memory_space<vmem>>, vector<1x16xf32>,
    %swap3A_646 = arith.constant 12 : i32
    %swap3A_647 = arith.index_cast %swap3A_646 : i32 to index
    %swap3A_648 = arith.constant 96 : index
    %swap3A_649 = tpu.vector_load %arg7[%swap3A_647, %swap3A_648] {strides = array<i32>} : memref<16x128xf32, #tpu.memory_space<vmem>>, vector<1x16xf32>,
    %swap3A_650 = vector.shape_cast %swap3A_649 : vector<1x16xf32> to vector<16xf32>
    %swap3A_651 = vector.shape_cast %broadcast_in_dim3A_34 : vector<16xf32> to vector<1x16xf32>
    tpu.vector_store %arg7[%swap3A_647, %swap3A_648], %swap3A_651 {strides = array<i32>} : memref<16x128xf32, #tpu.memory_space<vmem>>, vector<1x16xf32>,
    %swap3A_652 = arith.constant 12 : i32
    %swap3A_653 = arith.index_cast %swap3A_652 : i32 to index
    %swap3A_654 = arith.constant 112 : index
    %swap3A_655 = tpu.vector_load %arg7[%swap3A_653, %swap3A_654] {strides = array<i32>} : memref<16x128xf32, #tpu.memory_space<vmem>>, vector<1x16xf32>,
    %swap3A_656 = vector.shape_cast %swap3A_655 : vector<1x16xf32> to vector<16xf32>
    %swap3A_657 = vector.shape_cast %broadcast_in_dim3A_34 : vector<16xf32> to vector<1x16xf32>
    tpu.vector_store %arg7[%swap3A_653, %swap3A_654], %swap3A_657 {strides = array<i32>} : memref<16x128xf32, #tpu.memory_space<vmem>>, vector<1x16xf32>,
    %swap3A_658 = arith.constant 13 : i32
    %swap3A_659 = arith.index_cast %swap3A_658 : i32 to index
    %swap3A_660 = arith.constant 0 : index
    %swap3A_661 = tpu.vector_load %arg7[%swap3A_659, %swap3A_660] {strides = array<i32>} : memref<16x128xf32, #tpu.memory_space<vmem>>, vector<1x16xf32>,
    %swap3A_662 = vector.shape_cast %swap3A_661 : vector<1x16xf32> to vector<16xf32>
    %swap3A_663 = vector.shape_cast %broadcast_in_dim3A_34 : vector<16xf32> to vector<1x16xf32>
    tpu.vector_store %arg7[%swap3A_659, %swap3A_660], %swap3A_663 {strides = array<i32>} : memref<16x128xf32, #tpu.memory_space<vmem>>, vector<1x16xf32>,
    %swap3A_664 = arith.constant 13 : i32
    %swap3A_665 = arith.index_cast %swap3A_664 : i32 to index
    %swap3A_666 = arith.constant 16 : index
    %swap3A_667 = tpu.vector_load %arg7[%swap3A_665, %swap3A_666] {strides = array<i32>} : memref<16x128xf32, #tpu.memory_space<vmem>>, vector<1x16xf32>,
    %swap3A_668 = vector.shape_cast %swap3A_667 : vector<1x16xf32> to vector<16xf32>
    %swap3A_669 = vector.shape_cast %broadcast_in_dim3A_34 : vector<16xf32> to vector<1x16xf32>
    tpu.vector_store %arg7[%swap3A_665, %swap3A_666], %swap3A_669 {strides = array<i32>} : memref<16x128xf32, #tpu.memory_space<vmem>>, vector<1x16xf32>,
    %swap3A_670 = arith.constant 13 : i32
    %swap3A_671 = arith.index_cast %swap3A_670 : i32 to index
    %swap3A_672 = arith.constant 32 : index
    %swap3A_673 = tpu.vector_load %arg7[%swap3A_671, %swap3A_672] {strides = array<i32>} : memref<16x128xf32, #tpu.memory_space<vmem>>, vector<1x16xf32>,
    %swap3A_674 = vector.shape_cast %swap3A_673 : vector<1x16xf32> to vector<16xf32>
    %swap3A_675 = vector.shape_cast %broadcast_in_dim3A_34 : vector<16xf32> to vector<1x16xf32>
    tpu.vector_store %arg7[%swap3A_671, %swap3A_672], %swap3A_675 {strides = array<i32>} : memref<16x128xf32, #tpu.memory_space<vmem>>, vector<1x16xf32>,
    %swap3A_676 = arith.constant 13 : i32
    %swap3A_677 = arith.index_cast %swap3A_676 : i32 to index
    %swap3A_678 = arith.constant 48 : index
    %swap3A_679 = tpu.vector_load %arg7[%swap3A_677, %swap3A_678] {strides = array<i32>} : memref<16x128xf32, #tpu.memory_space<vmem>>, vector<1x16xf32>,
    %swap3A_680 = vector.shape_cast %swap3A_679 : vector<1x16xf32> to vector<16xf32>
    %swap3A_681 = vector.shape_cast %broadcast_in_dim3A_34 : vector<16xf32> to vector<1x16xf32>
    tpu.vector_store %arg7[%swap3A_677, %swap3A_678], %swap3A_681 {strides = array<i32>} : memref<16x128xf32, #tpu.memory_space<vmem>>, vector<1x16xf32>,
    %swap3A_682 = arith.constant 13 : i32
    %swap3A_683 = arith.index_cast %swap3A_682 : i32 to index
    %swap3A_684 = arith.constant 64 : index
    %swap3A_685 = tpu.vector_load %arg7[%swap3A_683, %swap3A_684] {strides = array<i32>} : memref<16x128xf32, #tpu.memory_space<vmem>>, vector<1x16xf32>,
    %swap3A_686 = vector.shape_cast %swap3A_685 : vector<1x16xf32> to vector<16xf32>
    %swap3A_687 = vector.shape_cast %broadcast_in_dim3A_34 : vector<16xf32> to vector<1x16xf32>
    tpu.vector_store %arg7[%swap3A_683, %swap3A_684], %swap3A_687 {strides = array<i32>} : memref<16x128xf32, #tpu.memory_space<vmem>>, vector<1x16xf32>,
    %swap3A_688 = arith.constant 13 : i32
    %swap3A_689 = arith.index_cast %swap3A_688 : i32 to index
    %swap3A_690 = arith.constant 80 : index
    %swap3A_691 = tpu.vector_load %arg7[%swap3A_689, %swap3A_690] {strides = array<i32>} : memref<16x128xf32, #tpu.memory_space<vmem>>, vector<1x16xf32>,
    %swap3A_692 = vector.shape_cast %swap3A_691 : vector<1x16xf32> to vector<16xf32>
    %swap3A_693 = vector.shape_cast %broadcast_in_dim3A_34 : vector<16xf32> to vector<1x16xf32>
    tpu.vector_store %arg7[%swap3A_689, %swap3A_690], %swap3A_693 {strides = array<i32>} : memref<16x128xf32, #tpu.memory_space<vmem>>, vector<1x16xf32>,
    %swap3A_694 = arith.constant 13 : i32
    %swap3A_695 = arith.index_cast %swap3A_694 : i32 to index
    %swap3A_696 = arith.constant 96 : index
    %swap3A_697 = tpu.vector_load %arg7[%swap3A_695, %swap3A_696] {strides = array<i32>} : memref<16x128xf32, #tpu.memory_space<vmem>>, vector<1x16xf32>,
    %swap3A_698 = vector.shape_cast %swap3A_697 : vector<1x16xf32> to vector<16xf32>
    %swap3A_699 = vector.shape_cast %broadcast_in_dim3A_34 : vector<16xf32> to vector<1x16xf32>
    tpu.vector_store %arg7[%swap3A_695, %swap3A_696], %swap3A_699 {strides = array<i32>} : memref<16x128xf32, #tpu.memory_space<vmem>>, vector<1x16xf32>,
    %swap3A_700 = arith.constant 13 : i32
    %swap3A_701 = arith.index_cast %swap3A_700 : i32 to index
    %swap3A_702 = arith.constant 112 : index
    %swap3A_703 = tpu.vector_load %arg7[%swap3A_701, %swap3A_702] {strides = array<i32>} : memref<16x128xf32, #tpu.memory_space<vmem>>, vector<1x16xf32>,
    %swap3A_704 = vector.shape_cast %swap3A_703 : vector<1x16xf32> to vector<16xf32>
    %swap3A_705 = vector.shape_cast %broadcast_in_dim3A_34 : vector<16xf32> to vector<1x16xf32>
    tpu.vector_store %arg7[%swap3A_701, %swap3A_702], %swap3A_705 {strides = array<i32>} : memref<16x128xf32, #tpu.memory_space<vmem>>, vector<1x16xf32>,
    %swap3A_706 = arith.constant 14 : i32
    %swap3A_707 = arith.index_cast %swap3A_706 : i32 to index
    %swap3A_708 = arith.constant 0 : index
    %swap3A_709 = tpu.vector_load %arg7[%swap3A_707, %swap3A_708] {strides = array<i32>} : memref<16x128xf32, #tpu.memory_space<vmem>>, vector<1x16xf32>,
    %swap3A_710 = vector.shape_cast %swap3A_709 : vector<1x16xf32> to vector<16xf32>
    %swap3A_711 = vector.shape_cast %broadcast_in_dim3A_34 : vector<16xf32> to vector<1x16xf32>
    tpu.vector_store %arg7[%swap3A_707, %swap3A_708], %swap3A_711 {strides = array<i32>} : memref<16x128xf32, #tpu.memory_space<vmem>>, vector<1x16xf32>,
    %swap3A_712 = arith.constant 14 : i32
    %swap3A_713 = arith.index_cast %swap3A_712 : i32 to index
    %swap3A_714 = arith.constant 16 : index
    %swap3A_715 = tpu.vector_load %arg7[%swap3A_713, %swap3A_714] {strides = array<i32>} : memref<16x128xf32, #tpu.memory_space<vmem>>, vector<1x16xf32>,
    %swap3A_716 = vector.shape_cast %swap3A_715 : vector<1x16xf32> to vector<16xf32>
    %swap3A_717 = vector.shape_cast %broadcast_in_dim3A_34 : vector<16xf32> to vector<1x16xf32>
    tpu.vector_store %arg7[%swap3A_713, %swap3A_714], %swap3A_717 {strides = array<i32>} : memref<16x128xf32, #tpu.memory_space<vmem>>, vector<1x16xf32>,
    %swap3A_718 = arith.constant 14 : i32
    %swap3A_719 = arith.index_cast %swap3A_718 : i32 to index
    %swap3A_720 = arith.constant 32 : index
    %swap3A_721 = tpu.vector_load %arg7[%swap3A_719, %swap3A_720] {strides = array<i32>} : memref<16x128xf32, #tpu.memory_space<vmem>>, vector<1x16xf32>,
    %swap3A_722 = vector.shape_cast %swap3A_721 : vector<1x16xf32> to vector<16xf32>
    %swap3A_723 = vector.shape_cast %broadcast_in_dim3A_34 : vector<16xf32> to vector<1x16xf32>
    tpu.vector_store %arg7[%swap3A_719, %swap3A_720], %swap3A_723 {strides = array<i32>} : memref<16x128xf32, #tpu.memory_space<vmem>>, vector<1x16xf32>,
    %swap3A_724 = arith.constant 14 : i32
    %swap3A_725 = arith.index_cast %swap3A_724 : i32 to index
    %swap3A_726 = arith.constant 48 : index
    %swap3A_727 = tpu.vector_load %arg7[%swap3A_725, %swap3A_726] {strides = array<i32>} : memref<16x128xf32, #tpu.memory_space<vmem>>, vector<1x16xf32>,
    %swap3A_728 = vector.shape_cast %swap3A_727 : vector<1x16xf32> to vector<16xf32>
    %swap3A_729 = vector.shape_cast %broadcast_in_dim3A_34 : vector<16xf32> to vector<1x16xf32>
    tpu.vector_store %arg7[%swap3A_725, %swap3A_726], %swap3A_729 {strides = array<i32>} : memref<16x128xf32, #tpu.memory_space<vmem>>, vector<1x16xf32>,
    %swap3A_730 = arith.constant 14 : i32
    %swap3A_731 = arith.index_cast %swap3A_730 : i32 to index
    %swap3A_732 = arith.constant 64 : index
    %swap3A_733 = tpu.vector_load %arg7[%swap3A_731, %swap3A_732] {strides = array<i32>} : memref<16x128xf32, #tpu.memory_space<vmem>>, vector<1x16xf32>,
    %swap3A_734 = vector.shape_cast %swap3A_733 : vector<1x16xf32> to vector<16xf32>
    %swap3A_735 = vector.shape_cast %broadcast_in_dim3A_34 : vector<16xf32> to vector<1x16xf32>
    tpu.vector_store %arg7[%swap3A_731, %swap3A_732], %swap3A_735 {strides = array<i32>} : memref<16x128xf32, #tpu.memory_space<vmem>>, vector<1x16xf32>,
    %swap3A_736 = arith.constant 14 : i32
    %swap3A_737 = arith.index_cast %swap3A_736 : i32 to index
    %swap3A_738 = arith.constant 80 : index
    %swap3A_739 = tpu.vector_load %arg7[%swap3A_737, %swap3A_738] {strides = array<i32>} : memref<16x128xf32, #tpu.memory_space<vmem>>, vector<1x16xf32>,
    %swap3A_740 = vector.shape_cast %swap3A_739 : vector<1x16xf32> to vector<16xf32>
    %swap3A_741 = vector.shape_cast %broadcast_in_dim3A_34 : vector<16xf32> to vector<1x16xf32>
    tpu.vector_store %arg7[%swap3A_737, %swap3A_738], %swap3A_741 {strides = array<i32>} : memref<16x128xf32, #tpu.memory_space<vmem>>, vector<1x16xf32>,
    %swap3A_742 = arith.constant 14 : i32
    %swap3A_743 = arith.index_cast %swap3A_742 : i32 to index
    %swap3A_744 = arith.constant 96 : index
    %swap3A_745 = tpu.vector_load %arg7[%swap3A_743, %swap3A_744] {strides = array<i32>} : memref<16x128xf32, #tpu.memory_space<vmem>>, vector<1x16xf32>,
    %swap3A_746 = vector.shape_cast %swap3A_745 : vector<1x16xf32> to vector<16xf32>
    %swap3A_747 = vector.shape_cast %broadcast_in_dim3A_34 : vector<16xf32> to vector<1x16xf32>
    tpu.vector_store %arg7[%swap3A_743, %swap3A_744], %swap3A_747 {strides = array<i32>} : memref<16x128xf32, #tpu.memory_space<vmem>>, vector<1x16xf32>,
    %swap3A_748 = arith.constant 14 : i32
    %swap3A_749 = arith.index_cast %swap3A_748 : i32 to index
    %swap3A_750 = arith.constant 112 : index
    %swap3A_751 = tpu.vector_load %arg7[%swap3A_749, %swap3A_750] {strides = array<i32>} : memref<16x128xf32, #tpu.memory_space<vmem>>, vector<1x16xf32>,
    %swap3A_752 = vector.shape_cast %swap3A_751 : vector<1x16xf32> to vector<16xf32>
    %swap3A_753 = vector.shape_cast %broadcast_in_dim3A_34 : vector<16xf32> to vector<1x16xf32>
    tpu.vector_store %arg7[%swap3A_749, %swap3A_750], %swap3A_753 {strides = array<i32>} : memref<16x128xf32, #tpu.memory_space<vmem>>, vector<1x16xf32>,
    %swap3A_754 = arith.constant 15 : i32
    %swap3A_755 = arith.index_cast %swap3A_754 : i32 to index
    %swap3A_756 = arith.constant 0 : index
    %swap3A_757 = tpu.vector_load %arg7[%swap3A_755, %swap3A_756] {strides = array<i32>} : memref<16x128xf32, #tpu.memory_space<vmem>>, vector<1x16xf32>,
    %swap3A_758 = vector.shape_cast %swap3A_757 : vector<1x16xf32> to vector<16xf32>
    %swap3A_759 = vector.shape_cast %broadcast_in_dim3A_34 : vector<16xf32> to vector<1x16xf32>
    tpu.vector_store %arg7[%swap3A_755, %swap3A_756], %swap3A_759 {strides = array<i32>} : memref<16x128xf32, #tpu.memory_space<vmem>>, vector<1x16xf32>,
    %swap3A_760 = arith.constant 15 : i32
    %swap3A_761 = arith.index_cast %swap3A_760 : i32 to index
    %swap3A_762 = arith.constant 16 : index
    %swap3A_763 = tpu.vector_load %arg7[%swap3A_761, %swap3A_762] {strides = array<i32>} : memref<16x128xf32, #tpu.memory_space<vmem>>, vector<1x16xf32>,
    %swap3A_764 = vector.shape_cast %swap3A_763 : vector<1x16xf32> to vector<16xf32>
    %swap3A_765 = vector.shape_cast %broadcast_in_dim3A_34 : vector<16xf32> to vector<1x16xf32>
    tpu.vector_store %arg7[%swap3A_761, %swap3A_762], %swap3A_765 {strides = array<i32>} : memref<16x128xf32, #tpu.memory_space<vmem>>, vector<1x16xf32>,
    %swap3A_766 = arith.constant 15 : i32
    %swap3A_767 = arith.index_cast %swap3A_766 : i32 to index
    %swap3A_768 = arith.constant 32 : index
    %swap3A_769 = tpu.vector_load %arg7[%swap3A_767, %swap3A_768] {strides = array<i32>} : memref<16x128xf32, #tpu.memory_space<vmem>>, vector<1x16xf32>,
    %swap3A_770 = vector.shape_cast %swap3A_769 : vector<1x16xf32> to vector<16xf32>
    %swap3A_771 = vector.shape_cast %broadcast_in_dim3A_34 : vector<16xf32> to vector<1x16xf32>
    tpu.vector_store %arg7[%swap3A_767, %swap3A_768], %swap3A_771 {strides = array<i32>} : memref<16x128xf32, #tpu.memory_space<vmem>>, vector<1x16xf32>,
    %swap3A_772 = arith.constant 15 : i32
    %swap3A_773 = arith.index_cast %swap3A_772 : i32 to index
    %swap3A_774 = arith.constant 48 : index
    %swap3A_775 = tpu.vector_load %arg7[%swap3A_773, %swap3A_774] {strides = array<i32>} : memref<16x128xf32, #tpu.memory_space<vmem>>, vector<1x16xf32>,
    %swap3A_776 = vector.shape_cast %swap3A_775 : vector<1x16xf32> to vector<16xf32>
    %swap3A_777 = vector.shape_cast %broadcast_in_dim3A_34 : vector<16xf32> to vector<1x16xf32>
    tpu.vector_store %arg7[%swap3A_773, %swap3A_774], %swap3A_777 {strides = array<i32>} : memref<16x128xf32, #tpu.memory_space<vmem>>, vector<1x16xf32>,
    %swap3A_778 = arith.constant 15 : i32
    %swap3A_779 = arith.index_cast %swap3A_778 : i32 to index
    %swap3A_780 = arith.constant 64 : index
    %swap3A_781 = tpu.vector_load %arg7[%swap3A_779, %swap3A_780] {strides = array<i32>} : memref<16x128xf32, #tpu.memory_space<vmem>>, vector<1x16xf32>,
    %swap3A_782 = vector.shape_cast %swap3A_781 : vector<1x16xf32> to vector<16xf32>
    %swap3A_783 = vector.shape_cast %broadcast_in_dim3A_34 : vector<16xf32> to vector<1x16xf32>
    tpu.vector_store %arg7[%swap3A_779, %swap3A_780], %swap3A_783 {strides = array<i32>} : memref<16x128xf32, #tpu.memory_space<vmem>>, vector<1x16xf32>,
    %swap3A_784 = arith.constant 15 : i32
    %swap3A_785 = arith.index_cast %swap3A_784 : i32 to index
    %swap3A_786 = arith.constant 80 : index
    %swap3A_787 = tpu.vector_load %arg7[%swap3A_785, %swap3A_786] {strides = array<i32>} : memref<16x128xf32, #tpu.memory_space<vmem>>, vector<1x16xf32>,
    %swap3A_788 = vector.shape_cast %swap3A_787 : vector<1x16xf32> to vector<16xf32>
    %swap3A_789 = vector.shape_cast %broadcast_in_dim3A_34 : vector<16xf32> to vector<1x16xf32>
    tpu.vector_store %arg7[%swap3A_785, %swap3A_786], %swap3A_789 {strides = array<i32>} : memref<16x128xf32, #tpu.memory_space<vmem>>, vector<1x16xf32>,
    %swap3A_790 = arith.constant 15 : i32
    %swap3A_791 = arith.index_cast %swap3A_790 : i32 to index
    %swap3A_792 = arith.constant 96 : index
    %swap3A_793 = tpu.vector_load %arg7[%swap3A_791, %swap3A_792] {strides = array<i32>} : memref<16x128xf32, #tpu.memory_space<vmem>>, vector<1x16xf32>,
    %swap3A_794 = vector.shape_cast %swap3A_793 : vector<1x16xf32> to vector<16xf32>
    %swap3A_795 = vector.shape_cast %broadcast_in_dim3A_34 : vector<16xf32> to vector<1x16xf32>
    tpu.vector_store %arg7[%swap3A_791, %swap3A_792], %swap3A_795 {strides = array<i32>} : memref<16x128xf32, #tpu.memory_space<vmem>>, vector<1x16xf32>,
    %swap3A_796 = arith.constant 15 : i32
    %swap3A_797 = arith.index_cast %swap3A_796 : i32 to index
    %swap3A_798 = arith.constant 112 : index
    %swap3A_799 = tpu.vector_load %arg7[%swap3A_797, %swap3A_798] {strides = array<i32>} : memref<16x128xf32, #tpu.memory_space<vmem>>, vector<1x16xf32>,
    %swap3A_800 = vector.shape_cast %swap3A_799 : vector<1x16xf32> to vector<16xf32>
    %swap3A_801 = vector.shape_cast %broadcast_in_dim3A_34 : vector<16xf32> to vector<1x16xf32>
    tpu.vector_store %arg7[%swap3A_797, %swap3A_798], %swap3A_801 {strides = array<i32>} : memref<16x128xf32, #tpu.memory_space<vmem>>, vector<1x16xf32>,
    %mul3A_802 = arith.constant 16 : i32
    %mul3A_803 = arith.muli %arg1, %mul3A_802 : i32
    "tpu.region"() ({
      %run_scoped3A = tpu.sem_alloc : memref<!tpu.dma_semaphore, #tpu.memory_space<semaphore_mem>>
      %dma_start3A_868 = arith.constant 0 : i32
      %dma_start3A_869 = tpu.memref_slice %arg8[%mul3A_803, %dma_start3A_868] : memref<256x128xf32, #tpu.memory_space<vmem_shared>> -> memref<16x128xf32, #tpu.memory_space<vmem_shared>>
      %dma_start3A_870 = arith.constant 0 : i32
      %dma_start3A_871 = tpu.memref_slice %arg8[%mul3A_803, %dma_start3A_870] : memref<256x128xf32, #tpu.memory_space<vmem_shared>> -> memref<16x128xf32, #tpu.memory_space<vmem_shared>>
      tpu.enqueue_dma source(%arg7 : memref<16x128xf32, #tpu.memory_space<vmem>>) target(%dma_start3A_871 : memref<16x128xf32, #tpu.memory_space<vmem_shared>>) target_semaphore(%run_scoped3A : memref<!tpu.dma_semaphore, #tpu.memory_space<semaphore_mem>>)
      %dma_wait3A = arith.constant 0 : i32
      %dma_wait3A_872 = tpu.memref_slice %arg8[%mul3A_803, %dma_wait3A] : memref<256x128xf32, #tpu.memory_space<vmem_shared>> -> memref<16x128xf32, #tpu.memory_space<vmem_shared>>
      %dma_wait3A_873 = arith.constant 0 : i32
      %dma_wait3A_874 = tpu.memref_slice %arg8[%mul3A_803, %dma_wait3A_873] : memref<256x128xf32, #tpu.memory_space<vmem_shared>> -> memref<16x128xf32, #tpu.memory_space<vmem_shared>>
      tpu.wait_dma2 semaphore(%run_scoped3A : memref<!tpu.dma_semaphore, #tpu.memory_space<semaphore_mem>>) src(%arg7 : memref<16x128xf32, #tpu.memory_space<vmem>>) dst(%dma_wait3A_874 : memref<16x128xf32, #tpu.memory_space<vmem_shared>>)
      tpu.yield
    }) : () -> ()
    %barrier3A = arith.constant 0 : index
    tpu.barrier barrier_id(%barrier3A)
    %scan3A = arith.constant 0 : i32
    %scan3A_804 = arith.constant 0 : i32
    %scan3A_805 = arith.constant 11 : i32
    %scan3A_806 = arith.addi %scan3A_804, %scan3A_805 : i32
    %scan3A_807 = arith.constant 1 : i32
    scf.for %scan3A_868 = %scan3A_804 to %scan3A_806 step %scan3A_807  : i32 {
      %mul3A_869 = arith.constant 3 : i32
      %mul3A_870 = arith.muli %scan3A_868, %mul3A_869 : i32
      %add3A_871 = arith.constant 0 : i32
      %add3A_872 = arith.addi %mul3A_870, %add3A_871 : i32
      %mul3A_873 = arith.constant 32 : i32
      %mul3A_874 = arith.muli %add3A_872, %mul3A_873 : i32
      %add3A_875 = arith.addi %add3A, %mul3A_874 : i32
      %lt3A_876 = arith.constant 990 : i32
      %lt3A_877 = arith.cmpi slt, %add3A_875, %lt3A_876 : i32
      %convert_element_type3A_878 = arith.extui %lt3A_877 : i1 to i32
      %cond3A_879 = arith.constant 0 : i32
      %cond3A_880 = arith.cmpi ne, %convert_element_type3A_878, %cond3A_879 : i32
      scf.if %cond3A_880 {
        %mul3A_905 = arith.constant 256 : i32
        %mul3A_906 = arith.muli %add3A_875, %mul3A_905 : i32
        %dma_wait3A = arith.constant 0 : i32
        %dma_wait3A_907 = arith.constant 0 : i32
        %dma_wait3A_908 = arith.constant 0 : i32
        %dma_wait3A_909 = tpu.memref_slice %arg6[%dma_wait3A, %dma_wait3A_907, %dma_wait3A_908] : memref<3x256x128xf32, #tpu.memory_space<vmem>> -> memref<1x256x128xf32, #tpu.memory_space<vmem>>
        %dma_wait3A_910 = tpu.memref_squeeze %dma_wait3A_909 : memref<1x256x128xf32, #tpu.memory_space<vmem>> -> memref<256x128xf32, #tpu.memory_space<vmem>>
        %dma_wait3A_911 = arith.constant 0 : i32
        %dma_wait3A_912 = tpu.memref_slice %arg2[%mul3A_906, %dma_wait3A_911] : memref<320000x128xf32, #tpu.memory_space<hbm>> -> memref<256x128xf32, #tpu.memory_space<hbm>>
        %dma_wait3A_913 = arith.constant 0 : i32
        %dma_wait3A_914 = arith.constant 0 : i32
        %dma_wait3A_915 = tpu.memref_slice %arg6[%dma_wait3A, %dma_wait3A_913, %dma_wait3A_914] : memref<3x256x128xf32, #tpu.memory_space<vmem>> -> memref<1x256x128xf32, #tpu.memory_space<vmem>>
        %dma_wait3A_916 = tpu.memref_squeeze %dma_wait3A_915 : memref<1x256x128xf32, #tpu.memory_space<vmem>> -> memref<256x128xf32, #tpu.memory_space<vmem>>
        %dma_wait3A_917 = arith.constant 0 : i32
        %dma_wait3A_918 = tpu.memref_slice %arg2[%mul3A_906, %dma_wait3A_917] : memref<320000x128xf32, #tpu.memory_space<hbm>> -> memref<256x128xf32, #tpu.memory_space<hbm>>
        tpu.wait_dma2 semaphore(%arg9 : memref<!tpu.dma_semaphore, #tpu.memory_space<semaphore_mem>>) src(%dma_wait3A_918 : memref<256x128xf32, #tpu.memory_space<hbm>>) dst(%dma_wait3A_916 : memref<256x128xf32, #tpu.memory_space<vmem>>)
        %mul3A_919 = arith.constant 2 : i32
        %mul3A_920 = arith.muli %add3A_875, %mul3A_919 : i32
        %dma_wait3A_921 = arith.constant 0 : i32
        %dma_wait3A_922 = arith.constant 0 : i32
        %dma_wait3A_923 = arith.constant 0 : i32
        %dma_wait3A_924 = tpu.memref_slice %arg5[%dma_wait3A_921, %dma_wait3A_922, %dma_wait3A_923] : memref<3x2x128xi32, #tpu.memory_space<vmem>> -> memref<1x2x128xi32, #tpu.memory_space<vmem>>
        %dma_wait3A_925 = tpu.memref_squeeze %dma_wait3A_924 : memref<1x2x128xi32, #tpu.memory_space<vmem>> -> memref<2x128xi32, #tpu.memory_space<vmem>>
        %dma_wait3A_926 = arith.constant 0 : i32
        %dma_wait3A_927 = tpu.memref_slice %arg3[%mul3A_920, %dma_wait3A_926] : memref<2500x128xi32, #tpu.memory_space<hbm>> -> memref<2x128xi32, #tpu.memory_space<hbm>>
        %dma_wait3A_928 = arith.constant 0 : i32
        %dma_wait3A_929 = arith.constant 0 : i32
        %dma_wait3A_930 = tpu.memref_slice %arg5[%dma_wait3A_921, %dma_wait3A_928, %dma_wait3A_929] : memref<3x2x128xi32, #tpu.memory_space<vmem>> -> memref<1x2x128xi32, #tpu.memory_space<vmem>>
        %dma_wait3A_931 = tpu.memref_squeeze %dma_wait3A_930 : memref<1x2x128xi32, #tpu.memory_space<vmem>> -> memref<2x128xi32, #tpu.memory_space<vmem>>
        %dma_wait3A_932 = arith.constant 0 : i32
        %dma_wait3A_933 = tpu.memref_slice %arg3[%mul3A_920, %dma_wait3A_932] : memref<2500x128xi32, #tpu.memory_space<hbm>> -> memref<2x128xi32, #tpu.memory_space<hbm>>
        tpu.wait_dma2 semaphore(%arg9 : memref<!tpu.dma_semaphore, #tpu.memory_space<semaphore_mem>>) src(%dma_wait3A_933 : memref<2x128xi32, #tpu.memory_space<hbm>>) dst(%dma_wait3A_931 : memref<2x128xi32, #tpu.memory_space<vmem>>)
        %gt3A = arith.constant 0 : i32
        %gt3A_934 = arith.cmpi sgt, %add3A_872, %gt3A : i32
        %convert_element_type3A_935 = arith.extui %gt3A_934 : i1 to i32
        %cond3A_936 = arith.constant 0 : i32
        %cond3A_937 = arith.cmpi ne, %convert_element_type3A_935, %cond3A_936 : i32
        scf.if %cond3A_937 {
          %dma_wait3A_971 = arith.constant 2 : i32
          %dma_wait3A_972 = arith.constant 2 : i32
          %dma_wait3A_973 = arith.constant 0 : i32
          %dma_wait3A_974 = arith.constant 0 : i32
          %dma_wait3A_975 = arith.constant 0 : i32
          %dma_wait3A_976 = tpu.memref_slice %arg6[%dma_wait3A_971, %dma_wait3A_974, %dma_wait3A_975] : memref<3x256x128xf32, #tpu.memory_space<vmem>> -> memref<1x128x128xf32, #tpu.memory_space<vmem>>
          %dma_wait3A_977 = tpu.memref_squeeze %dma_wait3A_976 : memref<1x128x128xf32, #tpu.memory_space<vmem>> -> memref<128x128xf32, #tpu.memory_space<vmem>>
          %dma_wait3A_978 = arith.constant 0 : i32
          %dma_wait3A_979 = tpu.memref_slice %arg5[%dma_wait3A_972, %dma_wait3A_973, %dma_wait3A_978] : memref<3x2x128xi32, #tpu.memory_space<vmem>> -> memref<1x1x128xi32, #tpu.memory_space<vmem>>
          %dma_wait3A_980 = tpu.memref_squeeze %dma_wait3A_979 : memref<1x1x128xi32, #tpu.memory_space<vmem>> -> memref<128xi32, #tpu.memory_space<vmem>>
          %dma_wait3A_981 = arith.constant 0 : i32
          %dma_wait3A_982 = arith.constant 0 : i32
          %dma_wait3A_983 = tpu.memref_slice %arg8[%dma_wait3A_981, %dma_wait3A_982] : memref<256x128xf32, #tpu.memory_space<vmem_shared>> -> memref<256x128xf32, #tpu.memory_space<vmem_shared>>
          tpu.wait_indirect_dma semaphore(%arg14 : memref<!tpu.dma_semaphore, #tpu.memory_space<semaphore_mem>>) src(%dma_wait3A_977 : memref<128x128xf32, #tpu.memory_space<vmem>>) dst(%dma_wait3A_983 : memref<256x128xf32, #tpu.memory_space<vmem_shared>>)
          %dma_wait3A_984 = arith.constant 2 : i32
          %dma_wait3A_985 = arith.constant 2 : i32
          %dma_wait3A_986 = arith.constant 1 : i32
          %dma_wait3A_987 = arith.constant 128 : i32
          %dma_wait3A_988 = arith.constant 0 : i32
          %dma_wait3A_989 = tpu.memref_slice %arg6[%dma_wait3A_984, %dma_wait3A_987, %dma_wait3A_988] : memref<3x256x128xf32, #tpu.memory_space<vmem>> -> memref<1x128x128xf32, #tpu.memory_space<vmem>>
          %dma_wait3A_990 = tpu.memref_squeeze %dma_wait3A_989 : memref<1x128x128xf32, #tpu.memory_space<vmem>> -> memref<128x128xf32, #tpu.memory_space<vmem>>
          %dma_wait3A_991 = arith.constant 0 : i32
          %dma_wait3A_992 = tpu.memref_slice %arg5[%dma_wait3A_985, %dma_wait3A_986, %dma_wait3A_991] : memref<3x2x128xi32, #tpu.memory_space<vmem>> -> memref<1x1x128xi32, #tpu.memory_space<vmem>>
          %dma_wait3A_993 = tpu.memref_squeeze %dma_wait3A_992 : memref<1x1x128xi32, #tpu.memory_space<vmem>> -> memref<128xi32, #tpu.memory_space<vmem>>
          %dma_wait3A_994 = arith.constant 0 : i32
          %dma_wait3A_995 = arith.constant 0 : i32
          %dma_wait3A_996 = tpu.memref_slice %arg8[%dma_wait3A_994, %dma_wait3A_995] : memref<256x128xf32, #tpu.memory_space<vmem_shared>> -> memref<256x128xf32, #tpu.memory_space<vmem_shared>>
          tpu.wait_indirect_dma semaphore(%arg14 : memref<!tpu.dma_semaphore, #tpu.memory_space<semaphore_mem>>) src(%dma_wait3A_990 : memref<128x128xf32, #tpu.memory_space<vmem>>) dst(%dma_wait3A_996 : memref<256x128xf32, #tpu.memory_space<vmem_shared>>)
        } else {
        }
        %add3A_938 = arith.constant 64 : i32
        %add3A_939 = arith.addi %add3A_875, %add3A_938 : i32
        %lt3A_940 = arith.constant 990 : i32
        %lt3A_941 = arith.cmpi slt, %add3A_939, %lt3A_940 : i32
        %convert_element_type3A_942 = arith.extui %lt3A_941 : i1 to i32
        %cond3A_943 = arith.constant 0 : i32
        %cond3A_944 = arith.cmpi ne, %convert_element_type3A_942, %cond3A_943 : i32
        scf.if %cond3A_944 {
          %mul3A_971 = arith.constant 256 : i32
          %mul3A_972 = arith.muli %add3A_939, %mul3A_971 : i32
          %dma_start3A_973 = arith.constant 2 : i32
          %dma_start3A_974 = arith.constant 0 : i32
          %dma_start3A_975 = arith.constant 0 : i32
          %dma_start3A_976 = tpu.memref_slice %arg6[%dma_start3A_973, %dma_start3A_974, %dma_start3A_975] : memref<3x256x128xf32, #tpu.memory_space<vmem>> -> memref<1x256x128xf32, #tpu.memory_space<vmem>>
          %dma_start3A_977 = tpu.memref_squeeze %dma_start3A_976 : memref<1x256x128xf32, #tpu.memory_space<vmem>> -> memref<256x128xf32, #tpu.memory_space<vmem>>
          %dma_start3A_978 = arith.constant 0 : i32
          %dma_start3A_979 = tpu.memref_slice %arg2[%mul3A_972, %dma_start3A_978] : memref<320000x128xf32, #tpu.memory_space<hbm>> -> memref<256x128xf32, #tpu.memory_space<hbm>>
          %dma_start3A_980 = arith.constant 0 : i32
          %dma_start3A_981 = arith.constant 0 : i32
          %dma_start3A_982 = tpu.memref_slice %arg6[%dma_start3A_973, %dma_start3A_980, %dma_start3A_981] : memref<3x256x128xf32, #tpu.memory_space<vmem>> -> memref<1x256x128xf32, #tpu.memory_space<vmem>>
          %dma_start3A_983 = tpu.memref_squeeze %dma_start3A_982 : memref<1x256x128xf32, #tpu.memory_space<vmem>> -> memref<256x128xf32, #tpu.memory_space<vmem>>
          %dma_start3A_984 = arith.constant 0 : i32
          %dma_start3A_985 = tpu.memref_slice %arg2[%mul3A_972, %dma_start3A_984] : memref<320000x128xf32, #tpu.memory_space<hbm>> -> memref<256x128xf32, #tpu.memory_space<hbm>>
          tpu.enqueue_dma source(%dma_start3A_985 : memref<256x128xf32, #tpu.memory_space<hbm>>) target(%dma_start3A_983 : memref<256x128xf32, #tpu.memory_space<vmem>>) target_semaphore(%arg11 : memref<!tpu.dma_semaphore, #tpu.memory_space<semaphore_mem>>)
          %mul3A_986 = arith.constant 2 : i32
          %mul3A_987 = arith.muli %add3A_939, %mul3A_986 : i32
          %dma_start3A_988 = arith.constant 2 : i32
          %dma_start3A_989 = arith.constant 0 : i32
          %dma_start3A_990 = arith.constant 0 : i32
          %dma_start3A_991 = tpu.memref_slice %arg5[%dma_start3A_988, %dma_start3A_989, %dma_start3A_990] : memref<3x2x128xi32, #tpu.memory_space<vmem>> -> memref<1x2x128xi32, #tpu.memory_space<vmem>>
          %dma_start3A_992 = tpu.memref_squeeze %dma_start3A_991 : memref<1x2x128xi32, #tpu.memory_space<vmem>> -> memref<2x128xi32, #tpu.memory_space<vmem>>
          %dma_start3A_993 = arith.constant 0 : i32
          %dma_start3A_994 = tpu.memref_slice %arg3[%mul3A_987, %dma_start3A_993] : memref<2500x128xi32, #tpu.memory_space<hbm>> -> memref<2x128xi32, #tpu.memory_space<hbm>>
          %dma_start3A_995 = arith.constant 0 : i32
          %dma_start3A_996 = arith.constant 0 : i32
          %dma_start3A_997 = tpu.memref_slice %arg5[%dma_start3A_988, %dma_start3A_995, %dma_start3A_996] : memref<3x2x128xi32, #tpu.memory_space<vmem>> -> memref<1x2x128xi32, #tpu.memory_space<vmem>>
          %dma_start3A_998 = tpu.memref_squeeze %dma_start3A_997 : memref<1x2x128xi32, #tpu.memory_space<vmem>> -> memref<2x128xi32, #tpu.memory_space<vmem>>
          %dma_start3A_999 = arith.constant 0 : i32
          %dma_start3A_1000 = tpu.memref_slice %arg3[%mul3A_987, %dma_start3A_999] : memref<2500x128xi32, #tpu.memory_space<hbm>> -> memref<2x128xi32, #tpu.memory_space<hbm>>
          tpu.enqueue_dma source(%dma_start3A_1000 : memref<2x128xi32, #tpu.memory_space<hbm>>) target(%dma_start3A_998 : memref<2x128xi32, #tpu.memory_space<vmem>>) target_semaphore(%arg11 : memref<!tpu.dma_semaphore, #tpu.memory_space<semaphore_mem>>)
        } else {
        }
        %dma_start3A_945 = arith.constant 0 : i32
        %dma_start3A_946 = arith.constant 0 : i32
        %dma_start3A_947 = arith.constant 0 : i32
        %dma_start3A_948 = arith.constant 0 : i32
        %dma_start3A_949 = arith.constant 0 : i32
        %dma_start3A_950 = tpu.memref_slice %arg6[%dma_start3A_945, %dma_start3A_948, %dma_start3A_949] : memref<3x256x128xf32, #tpu.memory_space<vmem>> -> memref<1x128x128xf32, #tpu.memory_space<vmem>>
        %dma_start3A_951 = tpu.memref_squeeze %dma_start3A_950 : memref<1x128x128xf32, #tpu.memory_space<vmem>> -> memref<128x128xf32, #tpu.memory_space<vmem>>
        %dma_start3A_952 = arith.constant 0 : i32
        %dma_start3A_953 = tpu.memref_slice %arg5[%dma_start3A_946, %dma_start3A_947, %dma_start3A_952] : memref<3x2x128xi32, #tpu.memory_space<vmem>> -> memref<1x1x128xi32, #tpu.memory_space<vmem>>
        %dma_start3A_954 = tpu.memref_squeeze %dma_start3A_953 : memref<1x1x128xi32, #tpu.memory_space<vmem>> -> memref<128xi32, #tpu.memory_space<vmem>>
        %dma_start3A_955 = arith.constant 0 : i32
        %dma_start3A_956 = arith.constant 0 : i32
        %dma_start3A_957 = tpu.memref_slice %arg8[%dma_start3A_955, %dma_start3A_956] : memref<256x128xf32, #tpu.memory_space<vmem_shared>> -> memref<256x128xf32, #tpu.memory_space<vmem_shared>>
        tpu.enqueue_indirect_dma source(%dma_start3A_951 : memref<128x128xf32, #tpu.memory_space<vmem>>) target(%dma_start3A_957 : memref<256x128xf32, #tpu.memory_space<vmem_shared>>) offsets(%dma_start3A_954 : memref<128xi32, #tpu.memory_space<vmem>>) semaphore(%arg12 : memref<!tpu.dma_semaphore, #tpu.memory_space<semaphore_mem>>) {add = true}
        %dma_start3A_958 = arith.constant 0 : i32
        %dma_start3A_959 = arith.constant 0 : i32
        %dma_start3A_960 = arith.constant 1 : i32
        %dma_start3A_961 = arith.constant 128 : i32
        %dma_start3A_962 = arith.constant 0 : i32
        %dma_start3A_963 = tpu.memref_slice %arg6[%dma_start3A_958, %dma_start3A_961, %dma_start3A_962] : memref<3x256x128xf32, #tpu.memory_space<vmem>> -> memref<1x128x128xf32, #tpu.memory_space<vmem>>
        %dma_start3A_964 = tpu.memref_squeeze %dma_start3A_963 : memref<1x128x128xf32, #tpu.memory_space<vmem>> -> memref<128x128xf32, #tpu.memory_space<vmem>>
        %dma_start3A_965 = arith.constant 0 : i32
        %dma_start3A_966 = tpu.memref_slice %arg5[%dma_start3A_959, %dma_start3A_960, %dma_start3A_965] : memref<3x2x128xi32, #tpu.memory_space<vmem>> -> memref<1x1x128xi32, #tpu.memory_space<vmem>>
        %dma_start3A_967 = tpu.memref_squeeze %dma_start3A_966 : memref<1x1x128xi32, #tpu.memory_space<vmem>> -> memref<128xi32, #tpu.memory_space<vmem>>
        %dma_start3A_968 = arith.constant 0 : i32
        %dma_start3A_969 = arith.constant 0 : i32
        %dma_start3A_970 = tpu.memref_slice %arg8[%dma_start3A_968, %dma_start3A_969] : memref<256x128xf32, #tpu.memory_space<vmem_shared>> -> memref<256x128xf32, #tpu.memory_space<vmem_shared>>
        tpu.enqueue_indirect_dma source(%dma_start3A_964 : memref<128x128xf32, #tpu.memory_space<vmem>>) target(%dma_start3A_970 : memref<256x128xf32, #tpu.memory_space<vmem_shared>>) offsets(%dma_start3A_967 : memref<128xi32, #tpu.memory_space<vmem>>) semaphore(%arg12 : memref<!tpu.dma_semaphore, #tpu.memory_space<semaphore_mem>>) {add = true}
      } else {
      }
      %mul3A_881 = arith.constant 3 : i32
      %mul3A_882 = arith.muli %scan3A_868, %mul3A_881 : i32
      %add3A_883 = arith.constant 1 : i32
      %add3A_884 = arith.addi %mul3A_882, %add3A_883 : i32
      %mul3A_885 = arith.constant 32 : i32
      %mul3A_886 = arith.muli %add3A_884, %mul3A_885 : i32
      %add3A_887 = arith.addi %add3A, %mul3A_886 : i32
      %lt3A_888 = arith.constant 990 : i32
      %lt3A_889 = arith.cmpi slt, %add3A_887, %lt3A_888 : i32
      %convert_element_type3A_890 = arith.extui %lt3A_889 : i1 to i32
      %cond3A_891 = arith.constant 0 : i32
      %cond3A_892 = arith.cmpi ne, %convert_element_type3A_890, %cond3A_891 : i32
      scf.if %cond3A_892 {
        %mul3A_905 = arith.constant 256 : i32
        %mul3A_906 = arith.muli %add3A_887, %mul3A_905 : i32
        %dma_wait3A = arith.constant 1 : i32
        %dma_wait3A_907 = arith.constant 0 : i32
        %dma_wait3A_908 = arith.constant 0 : i32
        %dma_wait3A_909 = tpu.memref_slice %arg6[%dma_wait3A, %dma_wait3A_907, %dma_wait3A_908] : memref<3x256x128xf32, #tpu.memory_space<vmem>> -> memref<1x256x128xf32, #tpu.memory_space<vmem>>
        %dma_wait3A_910 = tpu.memref_squeeze %dma_wait3A_909 : memref<1x256x128xf32, #tpu.memory_space<vmem>> -> memref<256x128xf32, #tpu.memory_space<vmem>>
        %dma_wait3A_911 = arith.constant 0 : i32
        %dma_wait3A_912 = tpu.memref_slice %arg2[%mul3A_906, %dma_wait3A_911] : memref<320000x128xf32, #tpu.memory_space<hbm>> -> memref<256x128xf32, #tpu.memory_space<hbm>>
        %dma_wait3A_913 = arith.constant 0 : i32
        %dma_wait3A_914 = arith.constant 0 : i32
        %dma_wait3A_915 = tpu.memref_slice %arg6[%dma_wait3A, %dma_wait3A_913, %dma_wait3A_914] : memref<3x256x128xf32, #tpu.memory_space<vmem>> -> memref<1x256x128xf32, #tpu.memory_space<vmem>>
        %dma_wait3A_916 = tpu.memref_squeeze %dma_wait3A_915 : memref<1x256x128xf32, #tpu.memory_space<vmem>> -> memref<256x128xf32, #tpu.memory_space<vmem>>
        %dma_wait3A_917 = arith.constant 0 : i32
        %dma_wait3A_918 = tpu.memref_slice %arg2[%mul3A_906, %dma_wait3A_917] : memref<320000x128xf32, #tpu.memory_space<hbm>> -> memref<256x128xf32, #tpu.memory_space<hbm>>
        tpu.wait_dma2 semaphore(%arg10 : memref<!tpu.dma_semaphore, #tpu.memory_space<semaphore_mem>>) src(%dma_wait3A_918 : memref<256x128xf32, #tpu.memory_space<hbm>>) dst(%dma_wait3A_916 : memref<256x128xf32, #tpu.memory_space<vmem>>)
        %mul3A_919 = arith.constant 2 : i32
        %mul3A_920 = arith.muli %add3A_887, %mul3A_919 : i32
        %dma_wait3A_921 = arith.constant 1 : i32
        %dma_wait3A_922 = arith.constant 0 : i32
        %dma_wait3A_923 = arith.constant 0 : i32
        %dma_wait3A_924 = tpu.memref_slice %arg5[%dma_wait3A_921, %dma_wait3A_922, %dma_wait3A_923] : memref<3x2x128xi32, #tpu.memory_space<vmem>> -> memref<1x2x128xi32, #tpu.memory_space<vmem>>
        %dma_wait3A_925 = tpu.memref_squeeze %dma_wait3A_924 : memref<1x2x128xi32, #tpu.memory_space<vmem>> -> memref<2x128xi32, #tpu.memory_space<vmem>>
        %dma_wait3A_926 = arith.constant 0 : i32
        %dma_wait3A_927 = tpu.memref_slice %arg3[%mul3A_920, %dma_wait3A_926] : memref<2500x128xi32, #tpu.memory_space<hbm>> -> memref<2x128xi32, #tpu.memory_space<hbm>>
        %dma_wait3A_928 = arith.constant 0 : i32
        %dma_wait3A_929 = arith.constant 0 : i32
        %dma_wait3A_930 = tpu.memref_slice %arg5[%dma_wait3A_921, %dma_wait3A_928, %dma_wait3A_929] : memref<3x2x128xi32, #tpu.memory_space<vmem>> -> memref<1x2x128xi32, #tpu.memory_space<vmem>>
        %dma_wait3A_931 = tpu.memref_squeeze %dma_wait3A_930 : memref<1x2x128xi32, #tpu.memory_space<vmem>> -> memref<2x128xi32, #tpu.memory_space<vmem>>
        %dma_wait3A_932 = arith.constant 0 : i32
        %dma_wait3A_933 = tpu.memref_slice %arg3[%mul3A_920, %dma_wait3A_932] : memref<2500x128xi32, #tpu.memory_space<hbm>> -> memref<2x128xi32, #tpu.memory_space<hbm>>
        tpu.wait_dma2 semaphore(%arg10 : memref<!tpu.dma_semaphore, #tpu.memory_space<semaphore_mem>>) src(%dma_wait3A_933 : memref<2x128xi32, #tpu.memory_space<hbm>>) dst(%dma_wait3A_931 : memref<2x128xi32, #tpu.memory_space<vmem>>)
        %gt3A = arith.constant 0 : i32
        %gt3A_934 = arith.cmpi sgt, %add3A_884, %gt3A : i32
        %convert_element_type3A_935 = arith.extui %gt3A_934 : i1 to i32
        %cond3A_936 = arith.constant 0 : i32
        %cond3A_937 = arith.cmpi ne, %convert_element_type3A_935, %cond3A_936 : i32
        scf.if %cond3A_937 {
          %dma_wait3A_971 = arith.constant 0 : i32
          %dma_wait3A_972 = arith.constant 0 : i32
          %dma_wait3A_973 = arith.constant 0 : i32
          %dma_wait3A_974 = arith.constant 0 : i32
          %dma_wait3A_975 = arith.constant 0 : i32
          %dma_wait3A_976 = tpu.memref_slice %arg6[%dma_wait3A_971, %dma_wait3A_974, %dma_wait3A_975] : memref<3x256x128xf32, #tpu.memory_space<vmem>> -> memref<1x128x128xf32, #tpu.memory_space<vmem>>
          %dma_wait3A_977 = tpu.memref_squeeze %dma_wait3A_976 : memref<1x128x128xf32, #tpu.memory_space<vmem>> -> memref<128x128xf32, #tpu.memory_space<vmem>>
          %dma_wait3A_978 = arith.constant 0 : i32
          %dma_wait3A_979 = tpu.memref_slice %arg5[%dma_wait3A_972, %dma_wait3A_973, %dma_wait3A_978] : memref<3x2x128xi32, #tpu.memory_space<vmem>> -> memref<1x1x128xi32, #tpu.memory_space<vmem>>
          %dma_wait3A_980 = tpu.memref_squeeze %dma_wait3A_979 : memref<1x1x128xi32, #tpu.memory_space<vmem>> -> memref<128xi32, #tpu.memory_space<vmem>>
          %dma_wait3A_981 = arith.constant 0 : i32
          %dma_wait3A_982 = arith.constant 0 : i32
          %dma_wait3A_983 = tpu.memref_slice %arg8[%dma_wait3A_981, %dma_wait3A_982] : memref<256x128xf32, #tpu.memory_space<vmem_shared>> -> memref<256x128xf32, #tpu.memory_space<vmem_shared>>
          tpu.wait_indirect_dma semaphore(%arg12 : memref<!tpu.dma_semaphore, #tpu.memory_space<semaphore_mem>>) src(%dma_wait3A_977 : memref<128x128xf32, #tpu.memory_space<vmem>>) dst(%dma_wait3A_983 : memref<256x128xf32, #tpu.memory_space<vmem_shared>>)
          %dma_wait3A_984 = arith.constant 0 : i32
          %dma_wait3A_985 = arith.constant 0 : i32
          %dma_wait3A_986 = arith.constant 1 : i32
          %dma_wait3A_987 = arith.constant 128 : i32
          %dma_wait3A_988 = arith.constant 0 : i32
          %dma_wait3A_989 = tpu.memref_slice %arg6[%dma_wait3A_984, %dma_wait3A_987, %dma_wait3A_988] : memref<3x256x128xf32, #tpu.memory_space<vmem>> -> memref<1x128x128xf32, #tpu.memory_space<vmem>>
          %dma_wait3A_990 = tpu.memref_squeeze %dma_wait3A_989 : memref<1x128x128xf32, #tpu.memory_space<vmem>> -> memref<128x128xf32, #tpu.memory_space<vmem>>
          %dma_wait3A_991 = arith.constant 0 : i32
          %dma_wait3A_992 = tpu.memref_slice %arg5[%dma_wait3A_985, %dma_wait3A_986, %dma_wait3A_991] : memref<3x2x128xi32, #tpu.memory_space<vmem>> -> memref<1x1x128xi32, #tpu.memory_space<vmem>>
          %dma_wait3A_993 = tpu.memref_squeeze %dma_wait3A_992 : memref<1x1x128xi32, #tpu.memory_space<vmem>> -> memref<128xi32, #tpu.memory_space<vmem>>
          %dma_wait3A_994 = arith.constant 0 : i32
          %dma_wait3A_995 = arith.constant 0 : i32
          %dma_wait3A_996 = tpu.memref_slice %arg8[%dma_wait3A_994, %dma_wait3A_995] : memref<256x128xf32, #tpu.memory_space<vmem_shared>> -> memref<256x128xf32, #tpu.memory_space<vmem_shared>>
          tpu.wait_indirect_dma semaphore(%arg12 : memref<!tpu.dma_semaphore, #tpu.memory_space<semaphore_mem>>) src(%dma_wait3A_990 : memref<128x128xf32, #tpu.memory_space<vmem>>) dst(%dma_wait3A_996 : memref<256x128xf32, #tpu.memory_space<vmem_shared>>)
        } else {
        }
        %add3A_938 = arith.constant 64 : i32
        %add3A_939 = arith.addi %add3A_887, %add3A_938 : i32
        %lt3A_940 = arith.constant 990 : i32
        %lt3A_941 = arith.cmpi slt, %add3A_939, %lt3A_940 : i32
        %convert_element_type3A_942 = arith.extui %lt3A_941 : i1 to i32
        %cond3A_943 = arith.constant 0 : i32
        %cond3A_944 = arith.cmpi ne, %convert_element_type3A_942, %cond3A_943 : i32
        scf.if %cond3A_944 {
          %mul3A_971 = arith.constant 256 : i32
          %mul3A_972 = arith.muli %add3A_939, %mul3A_971 : i32
          %dma_start3A_973 = arith.constant 0 : i32
          %dma_start3A_974 = arith.constant 0 : i32
          %dma_start3A_975 = arith.constant 0 : i32
          %dma_start3A_976 = tpu.memref_slice %arg6[%dma_start3A_973, %dma_start3A_974, %dma_start3A_975] : memref<3x256x128xf32, #tpu.memory_space<vmem>> -> memref<1x256x128xf32, #tpu.memory_space<vmem>>
          %dma_start3A_977 = tpu.memref_squeeze %dma_start3A_976 : memref<1x256x128xf32, #tpu.memory_space<vmem>> -> memref<256x128xf32, #tpu.memory_space<vmem>>
          %dma_start3A_978 = arith.constant 0 : i32
          %dma_start3A_979 = tpu.memref_slice %arg2[%mul3A_972, %dma_start3A_978] : memref<320000x128xf32, #tpu.memory_space<hbm>> -> memref<256x128xf32, #tpu.memory_space<hbm>>
          %dma_start3A_980 = arith.constant 0 : i32
          %dma_start3A_981 = arith.constant 0 : i32
          %dma_start3A_982 = tpu.memref_slice %arg6[%dma_start3A_973, %dma_start3A_980, %dma_start3A_981] : memref<3x256x128xf32, #tpu.memory_space<vmem>> -> memref<1x256x128xf32, #tpu.memory_space<vmem>>
          %dma_start3A_983 = tpu.memref_squeeze %dma_start3A_982 : memref<1x256x128xf32, #tpu.memory_space<vmem>> -> memref<256x128xf32, #tpu.memory_space<vmem>>
          %dma_start3A_984 = arith.constant 0 : i32
          %dma_start3A_985 = tpu.memref_slice %arg2[%mul3A_972, %dma_start3A_984] : memref<320000x128xf32, #tpu.memory_space<hbm>> -> memref<256x128xf32, #tpu.memory_space<hbm>>
          tpu.enqueue_dma source(%dma_start3A_985 : memref<256x128xf32, #tpu.memory_space<hbm>>) target(%dma_start3A_983 : memref<256x128xf32, #tpu.memory_space<vmem>>) target_semaphore(%arg9 : memref<!tpu.dma_semaphore, #tpu.memory_space<semaphore_mem>>)
          %mul3A_986 = arith.constant 2 : i32
          %mul3A_987 = arith.muli %add3A_939, %mul3A_986 : i32
          %dma_start3A_988 = arith.constant 0 : i32
          %dma_start3A_989 = arith.constant 0 : i32
          %dma_start3A_990 = arith.constant 0 : i32
          %dma_start3A_991 = tpu.memref_slice %arg5[%dma_start3A_988, %dma_start3A_989, %dma_start3A_990] : memref<3x2x128xi32, #tpu.memory_space<vmem>> -> memref<1x2x128xi32, #tpu.memory_space<vmem>>
          %dma_start3A_992 = tpu.memref_squeeze %dma_start3A_991 : memref<1x2x128xi32, #tpu.memory_space<vmem>> -> memref<2x128xi32, #tpu.memory_space<vmem>>
          %dma_start3A_993 = arith.constant 0 : i32
          %dma_start3A_994 = tpu.memref_slice %arg3[%mul3A_987, %dma_start3A_993] : memref<2500x128xi32, #tpu.memory_space<hbm>> -> memref<2x128xi32, #tpu.memory_space<hbm>>
          %dma_start3A_995 = arith.constant 0 : i32
          %dma_start3A_996 = arith.constant 0 : i32
          %dma_start3A_997 = tpu.memref_slice %arg5[%dma_start3A_988, %dma_start3A_995, %dma_start3A_996] : memref<3x2x128xi32, #tpu.memory_space<vmem>> -> memref<1x2x128xi32, #tpu.memory_space<vmem>>
          %dma_start3A_998 = tpu.memref_squeeze %dma_start3A_997 : memref<1x2x128xi32, #tpu.memory_space<vmem>> -> memref<2x128xi32, #tpu.memory_space<vmem>>
          %dma_start3A_999 = arith.constant 0 : i32
          %dma_start3A_1000 = tpu.memref_slice %arg3[%mul3A_987, %dma_start3A_999] : memref<2500x128xi32, #tpu.memory_space<hbm>> -> memref<2x128xi32, #tpu.memory_space<hbm>>
          tpu.enqueue_dma source(%dma_start3A_1000 : memref<2x128xi32, #tpu.memory_space<hbm>>) target(%dma_start3A_998 : memref<2x128xi32, #tpu.memory_space<vmem>>) target_semaphore(%arg9 : memref<!tpu.dma_semaphore, #tpu.memory_space<semaphore_mem>>)
        } else {
        }
        %dma_start3A_945 = arith.constant 1 : i32
        %dma_start3A_946 = arith.constant 1 : i32
        %dma_start3A_947 = arith.constant 0 : i32
        %dma_start3A_948 = arith.constant 0 : i32
        %dma_start3A_949 = arith.constant 0 : i32
        %dma_start3A_950 = tpu.memref_slice %arg6[%dma_start3A_945, %dma_start3A_948, %dma_start3A_949] : memref<3x256x128xf32, #tpu.memory_space<vmem>> -> memref<1x128x128xf32, #tpu.memory_space<vmem>>
        %dma_start3A_951 = tpu.memref_squeeze %dma_start3A_950 : memref<1x128x128xf32, #tpu.memory_space<vmem>> -> memref<128x128xf32, #tpu.memory_space<vmem>>
        %dma_start3A_952 = arith.constant 0 : i32
        %dma_start3A_953 = tpu.memref_slice %arg5[%dma_start3A_946, %dma_start3A_947, %dma_start3A_952] : memref<3x2x128xi32, #tpu.memory_space<vmem>> -> memref<1x1x128xi32, #tpu.memory_space<vmem>>
        %dma_start3A_954 = tpu.memref_squeeze %dma_start3A_953 : memref<1x1x128xi32, #tpu.memory_space<vmem>> -> memref<128xi32, #tpu.memory_space<vmem>>
        %dma_start3A_955 = arith.constant 0 : i32
        %dma_start3A_956 = arith.constant 0 : i32
        %dma_start3A_957 = tpu.memref_slice %arg8[%dma_start3A_955, %dma_start3A_956] : memref<256x128xf32, #tpu.memory_space<vmem_shared>> -> memref<256x128xf32, #tpu.memory_space<vmem_shared>>
        tpu.enqueue_indirect_dma source(%dma_start3A_951 : memref<128x128xf32, #tpu.memory_space<vmem>>) target(%dma_start3A_957 : memref<256x128xf32, #tpu.memory_space<vmem_shared>>) offsets(%dma_start3A_954 : memref<128xi32, #tpu.memory_space<vmem>>) semaphore(%arg13 : memref<!tpu.dma_semaphore, #tpu.memory_space<semaphore_mem>>) {add = true}
        %dma_start3A_958 = arith.constant 1 : i32
        %dma_start3A_959 = arith.constant 1 : i32
        %dma_start3A_960 = arith.constant 1 : i32
        %dma_start3A_961 = arith.constant 128 : i32
        %dma_start3A_962 = arith.constant 0 : i32
        %dma_start3A_963 = tpu.memref_slice %arg6[%dma_start3A_958, %dma_start3A_961, %dma_start3A_962] : memref<3x256x128xf32, #tpu.memory_space<vmem>> -> memref<1x128x128xf32, #tpu.memory_space<vmem>>
        %dma_start3A_964 = tpu.memref_squeeze %dma_start3A_963 : memref<1x128x128xf32, #tpu.memory_space<vmem>> -> memref<128x128xf32, #tpu.memory_space<vmem>>
        %dma_start3A_965 = arith.constant 0 : i32
        %dma_start3A_966 = tpu.memref_slice %arg5[%dma_start3A_959, %dma_start3A_960, %dma_start3A_965] : memref<3x2x128xi32, #tpu.memory_space<vmem>> -> memref<1x1x128xi32, #tpu.memory_space<vmem>>
        %dma_start3A_967 = tpu.memref_squeeze %dma_start3A_966 : memref<1x1x128xi32, #tpu.memory_space<vmem>> -> memref<128xi32, #tpu.memory_space<vmem>>
        %dma_start3A_968 = arith.constant 0 : i32
        %dma_start3A_969 = arith.constant 0 : i32
        %dma_start3A_970 = tpu.memref_slice %arg8[%dma_start3A_968, %dma_start3A_969] : memref<256x128xf32, #tpu.memory_space<vmem_shared>> -> memref<256x128xf32, #tpu.memory_space<vmem_shared>>
        tpu.enqueue_indirect_dma source(%dma_start3A_964 : memref<128x128xf32, #tpu.memory_space<vmem>>) target(%dma_start3A_970 : memref<256x128xf32, #tpu.memory_space<vmem_shared>>) offsets(%dma_start3A_967 : memref<128xi32, #tpu.memory_space<vmem>>) semaphore(%arg13 : memref<!tpu.dma_semaphore, #tpu.memory_space<semaphore_mem>>) {add = true}
      } else {
      }
      %mul3A_893 = arith.constant 3 : i32
      %mul3A_894 = arith.muli %scan3A_868, %mul3A_893 : i32
      %add3A_895 = arith.constant 2 : i32
      %add3A_896 = arith.addi %mul3A_894, %add3A_895 : i32
      %mul3A_897 = arith.constant 32 : i32
      %mul3A_898 = arith.muli %add3A_896, %mul3A_897 : i32
      %add3A_899 = arith.addi %add3A, %mul3A_898 : i32
      %lt3A_900 = arith.constant 990 : i32
      %lt3A_901 = arith.cmpi slt, %add3A_899, %lt3A_900 : i32
      %convert_element_type3A_902 = arith.extui %lt3A_901 : i1 to i32
      %cond3A_903 = arith.constant 0 : i32
      %cond3A_904 = arith.cmpi ne, %convert_element_type3A_902, %cond3A_903 : i32
      scf.if %cond3A_904 {
        %mul3A_905 = arith.constant 256 : i32
        %mul3A_906 = arith.muli %add3A_899, %mul3A_905 : i32
        %dma_wait3A = arith.constant 2 : i32
        %dma_wait3A_907 = arith.constant 0 : i32
        %dma_wait3A_908 = arith.constant 0 : i32
        %dma_wait3A_909 = tpu.memref_slice %arg6[%dma_wait3A, %dma_wait3A_907, %dma_wait3A_908] : memref<3x256x128xf32, #tpu.memory_space<vmem>> -> memref<1x256x128xf32, #tpu.memory_space<vmem>>
        %dma_wait3A_910 = tpu.memref_squeeze %dma_wait3A_909 : memref<1x256x128xf32, #tpu.memory_space<vmem>> -> memref<256x128xf32, #tpu.memory_space<vmem>>
        %dma_wait3A_911 = arith.constant 0 : i32
        %dma_wait3A_912 = tpu.memref_slice %arg2[%mul3A_906, %dma_wait3A_911] : memref<320000x128xf32, #tpu.memory_space<hbm>> -> memref<256x128xf32, #tpu.memory_space<hbm>>
        %dma_wait3A_913 = arith.constant 0 : i32
        %dma_wait3A_914 = arith.constant 0 : i32
        %dma_wait3A_915 = tpu.memref_slice %arg6[%dma_wait3A, %dma_wait3A_913, %dma_wait3A_914] : memref<3x256x128xf32, #tpu.memory_space<vmem>> -> memref<1x256x128xf32, #tpu.memory_space<vmem>>
        %dma_wait3A_916 = tpu.memref_squeeze %dma_wait3A_915 : memref<1x256x128xf32, #tpu.memory_space<vmem>> -> memref<256x128xf32, #tpu.memory_space<vmem>>
        %dma_wait3A_917 = arith.constant 0 : i32
        %dma_wait3A_918 = tpu.memref_slice %arg2[%mul3A_906, %dma_wait3A_917] : memref<320000x128xf32, #tpu.memory_space<hbm>> -> memref<256x128xf32, #tpu.memory_space<hbm>>
        tpu.wait_dma2 semaphore(%arg11 : memref<!tpu.dma_semaphore, #tpu.memory_space<semaphore_mem>>) src(%dma_wait3A_918 : memref<256x128xf32, #tpu.memory_space<hbm>>) dst(%dma_wait3A_916 : memref<256x128xf32, #tpu.memory_space<vmem>>)
        %mul3A_919 = arith.constant 2 : i32
        %mul3A_920 = arith.muli %add3A_899, %mul3A_919 : i32
        %dma_wait3A_921 = arith.constant 2 : i32
        %dma_wait3A_922 = arith.constant 0 : i32
        %dma_wait3A_923 = arith.constant 0 : i32
        %dma_wait3A_924 = tpu.memref_slice %arg5[%dma_wait3A_921, %dma_wait3A_922, %dma_wait3A_923] : memref<3x2x128xi32, #tpu.memory_space<vmem>> -> memref<1x2x128xi32, #tpu.memory_space<vmem>>
        %dma_wait3A_925 = tpu.memref_squeeze %dma_wait3A_924 : memref<1x2x128xi32, #tpu.memory_space<vmem>> -> memref<2x128xi32, #tpu.memory_space<vmem>>
        %dma_wait3A_926 = arith.constant 0 : i32
        %dma_wait3A_927 = tpu.memref_slice %arg3[%mul3A_920, %dma_wait3A_926] : memref<2500x128xi32, #tpu.memory_space<hbm>> -> memref<2x128xi32, #tpu.memory_space<hbm>>
        %dma_wait3A_928 = arith.constant 0 : i32
        %dma_wait3A_929 = arith.constant 0 : i32
        %dma_wait3A_930 = tpu.memref_slice %arg5[%dma_wait3A_921, %dma_wait3A_928, %dma_wait3A_929] : memref<3x2x128xi32, #tpu.memory_space<vmem>> -> memref<1x2x128xi32, #tpu.memory_space<vmem>>
        %dma_wait3A_931 = tpu.memref_squeeze %dma_wait3A_930 : memref<1x2x128xi32, #tpu.memory_space<vmem>> -> memref<2x128xi32, #tpu.memory_space<vmem>>
        %dma_wait3A_932 = arith.constant 0 : i32
        %dma_wait3A_933 = tpu.memref_slice %arg3[%mul3A_920, %dma_wait3A_932] : memref<2500x128xi32, #tpu.memory_space<hbm>> -> memref<2x128xi32, #tpu.memory_space<hbm>>
        tpu.wait_dma2 semaphore(%arg11 : memref<!tpu.dma_semaphore, #tpu.memory_space<semaphore_mem>>) src(%dma_wait3A_933 : memref<2x128xi32, #tpu.memory_space<hbm>>) dst(%dma_wait3A_931 : memref<2x128xi32, #tpu.memory_space<vmem>>)
        %gt3A = arith.constant 0 : i32
        %gt3A_934 = arith.cmpi sgt, %add3A_896, %gt3A : i32
        %convert_element_type3A_935 = arith.extui %gt3A_934 : i1 to i32
        %cond3A_936 = arith.constant 0 : i32
        %cond3A_937 = arith.cmpi ne, %convert_element_type3A_935, %cond3A_936 : i32
        scf.if %cond3A_937 {
          %dma_wait3A_971 = arith.constant 1 : i32
          %dma_wait3A_972 = arith.constant 1 : i32
          %dma_wait3A_973 = arith.constant 0 : i32
          %dma_wait3A_974 = arith.constant 0 : i32
          %dma_wait3A_975 = arith.constant 0 : i32
          %dma_wait3A_976 = tpu.memref_slice %arg6[%dma_wait3A_971, %dma_wait3A_974, %dma_wait3A_975] : memref<3x256x128xf32, #tpu.memory_space<vmem>> -> memref<1x128x128xf32, #tpu.memory_space<vmem>>
          %dma_wait3A_977 = tpu.memref_squeeze %dma_wait3A_976 : memref<1x128x128xf32, #tpu.memory_space<vmem>> -> memref<128x128xf32, #tpu.memory_space<vmem>>
          %dma_wait3A_978 = arith.constant 0 : i32
          %dma_wait3A_979 = tpu.memref_slice %arg5[%dma_wait3A_972, %dma_wait3A_973, %dma_wait3A_978] : memref<3x2x128xi32, #tpu.memory_space<vmem>> -> memref<1x1x128xi32, #tpu.memory_space<vmem>>
          %dma_wait3A_980 = tpu.memref_squeeze %dma_wait3A_979 : memref<1x1x128xi32, #tpu.memory_space<vmem>> -> memref<128xi32, #tpu.memory_space<vmem>>
          %dma_wait3A_981 = arith.constant 0 : i32
          %dma_wait3A_982 = arith.constant 0 : i32
          %dma_wait3A_983 = tpu.memref_slice %arg8[%dma_wait3A_981, %dma_wait3A_982] : memref<256x128xf32, #tpu.memory_space<vmem_shared>> -> memref<256x128xf32, #tpu.memory_space<vmem_shared>>
          tpu.wait_indirect_dma semaphore(%arg13 : memref<!tpu.dma_semaphore, #tpu.memory_space<semaphore_mem>>) src(%dma_wait3A_977 : memref<128x128xf32, #tpu.memory_space<vmem>>) dst(%dma_wait3A_983 : memref<256x128xf32, #tpu.memory_space<vmem_shared>>)
          %dma_wait3A_984 = arith.constant 1 : i32
          %dma_wait3A_985 = arith.constant 1 : i32
          %dma_wait3A_986 = arith.constant 1 : i32
          %dma_wait3A_987 = arith.constant 128 : i32
          %dma_wait3A_988 = arith.constant 0 : i32
          %dma_wait3A_989 = tpu.memref_slice %arg6[%dma_wait3A_984, %dma_wait3A_987, %dma_wait3A_988] : memref<3x256x128xf32, #tpu.memory_space<vmem>> -> memref<1x128x128xf32, #tpu.memory_space<vmem>>
          %dma_wait3A_990 = tpu.memref_squeeze %dma_wait3A_989 : memref<1x128x128xf32, #tpu.memory_space<vmem>> -> memref<128x128xf32, #tpu.memory_space<vmem>>
          %dma_wait3A_991 = arith.constant 0 : i32
          %dma_wait3A_992 = tpu.memref_slice %arg5[%dma_wait3A_985, %dma_wait3A_986, %dma_wait3A_991] : memref<3x2x128xi32, #tpu.memory_space<vmem>> -> memref<1x1x128xi32, #tpu.memory_space<vmem>>
          %dma_wait3A_993 = tpu.memref_squeeze %dma_wait3A_992 : memref<1x1x128xi32, #tpu.memory_space<vmem>> -> memref<128xi32, #tpu.memory_space<vmem>>
          %dma_wait3A_994 = arith.constant 0 : i32
          %dma_wait3A_995 = arith.constant 0 : i32
          %dma_wait3A_996 = tpu.memref_slice %arg8[%dma_wait3A_994, %dma_wait3A_995] : memref<256x128xf32, #tpu.memory_space<vmem_shared>> -> memref<256x128xf32, #tpu.memory_space<vmem_shared>>
          tpu.wait_indirect_dma semaphore(%arg13 : memref<!tpu.dma_semaphore, #tpu.memory_space<semaphore_mem>>) src(%dma_wait3A_990 : memref<128x128xf32, #tpu.memory_space<vmem>>) dst(%dma_wait3A_996 : memref<256x128xf32, #tpu.memory_space<vmem_shared>>)
        } else {
        }
        %add3A_938 = arith.constant 64 : i32
        %add3A_939 = arith.addi %add3A_899, %add3A_938 : i32
        %lt3A_940 = arith.constant 990 : i32
        %lt3A_941 = arith.cmpi slt, %add3A_939, %lt3A_940 : i32
        %convert_element_type3A_942 = arith.extui %lt3A_941 : i1 to i32
        %cond3A_943 = arith.constant 0 : i32
        %cond3A_944 = arith.cmpi ne, %convert_element_type3A_942, %cond3A_943 : i32
        scf.if %cond3A_944 {
          %mul3A_971 = arith.constant 256 : i32
          %mul3A_972 = arith.muli %add3A_939, %mul3A_971 : i32
          %dma_start3A_973 = arith.constant 1 : i32
          %dma_start3A_974 = arith.constant 0 : i32
          %dma_start3A_975 = arith.constant 0 : i32
          %dma_start3A_976 = tpu.memref_slice %arg6[%dma_start3A_973, %dma_start3A_974, %dma_start3A_975] : memref<3x256x128xf32, #tpu.memory_space<vmem>> -> memref<1x256x128xf32, #tpu.memory_space<vmem>>
          %dma_start3A_977 = tpu.memref_squeeze %dma_start3A_976 : memref<1x256x128xf32, #tpu.memory_space<vmem>> -> memref<256x128xf32, #tpu.memory_space<vmem>>
          %dma_start3A_978 = arith.constant 0 : i32
          %dma_start3A_979 = tpu.memref_slice %arg2[%mul3A_972, %dma_start3A_978] : memref<320000x128xf32, #tpu.memory_space<hbm>> -> memref<256x128xf32, #tpu.memory_space<hbm>>
          %dma_start3A_980 = arith.constant 0 : i32
          %dma_start3A_981 = arith.constant 0 : i32
          %dma_start3A_982 = tpu.memref_slice %arg6[%dma_start3A_973, %dma_start3A_980, %dma_start3A_981] : memref<3x256x128xf32, #tpu.memory_space<vmem>> -> memref<1x256x128xf32, #tpu.memory_space<vmem>>
          %dma_start3A_983 = tpu.memref_squeeze %dma_start3A_982 : memref<1x256x128xf32, #tpu.memory_space<vmem>> -> memref<256x128xf32, #tpu.memory_space<vmem>>
          %dma_start3A_984 = arith.constant 0 : i32
          %dma_start3A_985 = tpu.memref_slice %arg2[%mul3A_972, %dma_start3A_984] : memref<320000x128xf32, #tpu.memory_space<hbm>> -> memref<256x128xf32, #tpu.memory_space<hbm>>
          tpu.enqueue_dma source(%dma_start3A_985 : memref<256x128xf32, #tpu.memory_space<hbm>>) target(%dma_start3A_983 : memref<256x128xf32, #tpu.memory_space<vmem>>) target_semaphore(%arg10 : memref<!tpu.dma_semaphore, #tpu.memory_space<semaphore_mem>>)
          %mul3A_986 = arith.constant 2 : i32
          %mul3A_987 = arith.muli %add3A_939, %mul3A_986 : i32
          %dma_start3A_988 = arith.constant 1 : i32
          %dma_start3A_989 = arith.constant 0 : i32
          %dma_start3A_990 = arith.constant 0 : i32
          %dma_start3A_991 = tpu.memref_slice %arg5[%dma_start3A_988, %dma_start3A_989, %dma_start3A_990] : memref<3x2x128xi32, #tpu.memory_space<vmem>> -> memref<1x2x128xi32, #tpu.memory_space<vmem>>
          %dma_start3A_992 = tpu.memref_squeeze %dma_start3A_991 : memref<1x2x128xi32, #tpu.memory_space<vmem>> -> memref<2x128xi32, #tpu.memory_space<vmem>>
          %dma_start3A_993 = arith.constant 0 : i32
          %dma_start3A_994 = tpu.memref_slice %arg3[%mul3A_987, %dma_start3A_993] : memref<2500x128xi32, #tpu.memory_space<hbm>> -> memref<2x128xi32, #tpu.memory_space<hbm>>
          %dma_start3A_995 = arith.constant 0 : i32
          %dma_start3A_996 = arith.constant 0 : i32
          %dma_start3A_997 = tpu.memref_slice %arg5[%dma_start3A_988, %dma_start3A_995, %dma_start3A_996] : memref<3x2x128xi32, #tpu.memory_space<vmem>> -> memref<1x2x128xi32, #tpu.memory_space<vmem>>
          %dma_start3A_998 = tpu.memref_squeeze %dma_start3A_997 : memref<1x2x128xi32, #tpu.memory_space<vmem>> -> memref<2x128xi32, #tpu.memory_space<vmem>>
          %dma_start3A_999 = arith.constant 0 : i32
          %dma_start3A_1000 = tpu.memref_slice %arg3[%mul3A_987, %dma_start3A_999] : memref<2500x128xi32, #tpu.memory_space<hbm>> -> memref<2x128xi32, #tpu.memory_space<hbm>>
          tpu.enqueue_dma source(%dma_start3A_1000 : memref<2x128xi32, #tpu.memory_space<hbm>>) target(%dma_start3A_998 : memref<2x128xi32, #tpu.memory_space<vmem>>) target_semaphore(%arg10 : memref<!tpu.dma_semaphore, #tpu.memory_space<semaphore_mem>>)
        } else {
        }
        %dma_start3A_945 = arith.constant 2 : i32
        %dma_start3A_946 = arith.constant 2 : i32
        %dma_start3A_947 = arith.constant 0 : i32
        %dma_start3A_948 = arith.constant 0 : i32
        %dma_start3A_949 = arith.constant 0 : i32
        %dma_start3A_950 = tpu.memref_slice %arg6[%dma_start3A_945, %dma_start3A_948, %dma_start3A_949] : memref<3x256x128xf32, #tpu.memory_space<vmem>> -> memref<1x128x128xf32, #tpu.memory_space<vmem>>
        %dma_start3A_951 = tpu.memref_squeeze %dma_start3A_950 : memref<1x128x128xf32, #tpu.memory_space<vmem>> -> memref<128x128xf32, #tpu.memory_space<vmem>>
        %dma_start3A_952 = arith.constant 0 : i32
        %dma_start3A_953 = tpu.memref_slice %arg5[%dma_start3A_946, %dma_start3A_947, %dma_start3A_952] : memref<3x2x128xi32, #tpu.memory_space<vmem>> -> memref<1x1x128xi32, #tpu.memory_space<vmem>>
        %dma_start3A_954 = tpu.memref_squeeze %dma_start3A_953 : memref<1x1x128xi32, #tpu.memory_space<vmem>> -> memref<128xi32, #tpu.memory_space<vmem>>
        %dma_start3A_955 = arith.constant 0 : i32
        %dma_start3A_956 = arith.constant 0 : i32
        %dma_start3A_957 = tpu.memref_slice %arg8[%dma_start3A_955, %dma_start3A_956] : memref<256x128xf32, #tpu.memory_space<vmem_shared>> -> memref<256x128xf32, #tpu.memory_space<vmem_shared>>
        tpu.enqueue_indirect_dma source(%dma_start3A_951 : memref<128x128xf32, #tpu.memory_space<vmem>>) target(%dma_start3A_957 : memref<256x128xf32, #tpu.memory_space<vmem_shared>>) offsets(%dma_start3A_954 : memref<128xi32, #tpu.memory_space<vmem>>) semaphore(%arg14 : memref<!tpu.dma_semaphore, #tpu.memory_space<semaphore_mem>>) {add = true}
        %dma_start3A_958 = arith.constant 2 : i32
        %dma_start3A_959 = arith.constant 2 : i32
        %dma_start3A_960 = arith.constant 1 : i32
        %dma_start3A_961 = arith.constant 128 : i32
        %dma_start3A_962 = arith.constant 0 : i32
        %dma_start3A_963 = tpu.memref_slice %arg6[%dma_start3A_958, %dma_start3A_961, %dma_start3A_962] : memref<3x256x128xf32, #tpu.memory_space<vmem>> -> memref<1x128x128xf32, #tpu.memory_space<vmem>>
        %dma_start3A_964 = tpu.memref_squeeze %dma_start3A_963 : memref<1x128x128xf32, #tpu.memory_space<vmem>> -> memref<128x128xf32, #tpu.memory_space<vmem>>
        %dma_start3A_965 = arith.constant 0 : i32
        %dma_start3A_966 = tpu.memref_slice %arg5[%dma_start3A_959, %dma_start3A_960, %dma_start3A_965] : memref<3x2x128xi32, #tpu.memory_space<vmem>> -> memref<1x1x128xi32, #tpu.memory_space<vmem>>
        %dma_start3A_967 = tpu.memref_squeeze %dma_start3A_966 : memref<1x1x128xi32, #tpu.memory_space<vmem>> -> memref<128xi32, #tpu.memory_space<vmem>>
        %dma_start3A_968 = arith.constant 0 : i32
        %dma_start3A_969 = arith.constant 0 : i32
        %dma_start3A_970 = tpu.memref_slice %arg8[%dma_start3A_968, %dma_start3A_969] : memref<256x128xf32, #tpu.memory_space<vmem_shared>> -> memref<256x128xf32, #tpu.memory_space<vmem_shared>>
        tpu.enqueue_indirect_dma source(%dma_start3A_964 : memref<128x128xf32, #tpu.memory_space<vmem>>) target(%dma_start3A_970 : memref<256x128xf32, #tpu.memory_space<vmem_shared>>) offsets(%dma_start3A_967 : memref<128xi32, #tpu.memory_space<vmem>>) semaphore(%arg14 : memref<!tpu.dma_semaphore, #tpu.memory_space<semaphore_mem>>) {add = true}
      } else {
      }
    }
    %scan3A_808 = arith.constant 11 : i32
    %sub3A = arith.constant 990 : i32
    %sub3A_809 = arith.subi %sub3A, %add3A : i32
    %add3A_810 = arith.constant 32 : i32
    %add3A_811 = arith.addi %sub3A_809, %add3A_810 : i32
    %sub3A_812 = arith.constant 1 : i32
    %sub3A_813 = arith.subi %add3A_811, %sub3A_812 : i32
    %jit3A = arith.constant 32 : i32
    %div3A = arith.divsi %sub3A_813, %jit3A : i32
    %sign3A = arith.constant 0 : i32
    %sign3A_814 = arith.cmpi sgt, %sub3A_813, %sign3A : i32
    %sign3A_815 = arith.extui %sign3A_814 : i1 to i32
    %sign3A_816 = arith.constant 0 : i32
    %sign3A_817 = arith.cmpi slt, %sub3A_813, %sign3A_816 : i32
    %sign3A_818 = arith.extui %sign3A_817 : i1 to i32
    %sign3A_819 = arith.subi %sign3A_815, %sign3A_818 : i32
    %sign3A_820 = arith.constant 0 : i32
    %sign3A_821 = arith.cmpi sgt, %jit3A, %sign3A_820 : i32
    %sign3A_822 = arith.extui %sign3A_821 : i1 to i32
    %sign3A_823 = arith.constant 0 : i32
    %sign3A_824 = arith.cmpi slt, %jit3A, %sign3A_823 : i32
    %sign3A_825 = arith.extui %sign3A_824 : i1 to i32
    %sign3A_826 = arith.subi %sign3A_822, %sign3A_825 : i32
    %ne3A = arith.cmpi ne, %sign3A_819, %sign3A_826 : i32
    %rem3A = arith.remsi %sub3A_813, %jit3A : i32
    %ne3A_827 = arith.constant 0 : i32
    %ne3A_828 = arith.cmpi ne, %rem3A, %ne3A_827 : i32
    %and3A = arith.andi %ne3A, %ne3A_828 : i1
    %sub3A_829 = arith.constant 1 : i32
    %sub3A_830 = arith.subi %div3A, %sub3A_829 : i32
    %select_n3A = arith.select %and3A, %sub3A_830, %div3A : i32
    %sub3A_831 = arith.constant 1 : i32
    %sub3A_832 = arith.subi %select_n3A, %sub3A_831 : i32
    %jit3A_833 = arith.constant 3 : i32
    %eq3A = arith.constant 0 : i32
    %eq3A_834 = arith.cmpi eq, %jit3A_833, %eq3A : i32
    %jit3A_835 = arith.constant 1 : i32
    %select_n3A_836 = arith.select %eq3A_834, %jit3A_835, %jit3A_833 : i32
    %rem3A_837 = arith.remsi %sub3A_832, %select_n3A_836 : i32
    %ne3A_838 = arith.constant 0 : i32
    %ne3A_839 = arith.cmpi ne, %rem3A_837, %ne3A_838 : i32
    %lt3A_840 = arith.constant 0 : i32
    %lt3A_841 = arith.cmpi slt, %rem3A_837, %lt3A_840 : i32
    %lt3A_842 = arith.constant 0 : i32
    %lt3A_843 = arith.cmpi slt, %select_n3A_836, %lt3A_842 : i32
    %ne3A_844 = arith.xori %lt3A_841, %lt3A_843 : i1
    %and3A_845 = arith.andi %ne3A_844, %ne3A_839 : i1
    %add3A_846 = arith.addi %rem3A_837, %select_n3A_836 : i32
    %select_n3A_847 = arith.select %and3A_845, %add3A_846, %rem3A_837 : i32
    %eq3A_848 = arith.constant 0 : i32
    %eq3A_849 = arith.cmpi eq, %select_n3A_847, %eq3A_848 : i32
    %convert_element_type3A_850 = arith.extui %eq3A_849 : i1 to i32
    %cond3A_851 = arith.constant 0 : i32
    %cond3A_852 = arith.cmpi ne, %convert_element_type3A_850, %cond3A_851 : i32
    scf.if %cond3A_852 {
      %dma_wait3A = arith.constant 0 : i32
      %dma_wait3A_868 = arith.constant 0 : i32
      %dma_wait3A_869 = arith.constant 0 : i32
      %dma_wait3A_870 = arith.constant 0 : i32
      %dma_wait3A_871 = arith.constant 0 : i32
      %dma_wait3A_872 = tpu.memref_slice %arg6[%dma_wait3A, %dma_wait3A_870, %dma_wait3A_871] : memref<3x256x128xf32, #tpu.memory_space<vmem>> -> memref<1x128x128xf32, #tpu.memory_space<vmem>>
      %dma_wait3A_873 = tpu.memref_squeeze %dma_wait3A_872 : memref<1x128x128xf32, #tpu.memory_space<vmem>> -> memref<128x128xf32, #tpu.memory_space<vmem>>
      %dma_wait3A_874 = arith.constant 0 : i32
      %dma_wait3A_875 = tpu.memref_slice %arg5[%dma_wait3A_868, %dma_wait3A_869, %dma_wait3A_874] : memref<3x2x128xi32, #tpu.memory_space<vmem>> -> memref<1x1x128xi32, #tpu.memory_space<vmem>>
      %dma_wait3A_876 = tpu.memref_squeeze %dma_wait3A_875 : memref<1x1x128xi32, #tpu.memory_space<vmem>> -> memref<128xi32, #tpu.memory_space<vmem>>
      %dma_wait3A_877 = arith.constant 0 : i32
      %dma_wait3A_878 = arith.constant 0 : i32
      %dma_wait3A_879 = tpu.memref_slice %arg8[%dma_wait3A_877, %dma_wait3A_878] : memref<256x128xf32, #tpu.memory_space<vmem_shared>> -> memref<256x128xf32, #tpu.memory_space<vmem_shared>>
      tpu.wait_indirect_dma semaphore(%arg12 : memref<!tpu.dma_semaphore, #tpu.memory_space<semaphore_mem>>) src(%dma_wait3A_873 : memref<128x128xf32, #tpu.memory_space<vmem>>) dst(%dma_wait3A_879 : memref<256x128xf32, #tpu.memory_space<vmem_shared>>)
      %dma_wait3A_880 = arith.constant 0 : i32
      %dma_wait3A_881 = arith.constant 0 : i32
      %dma_wait3A_882 = arith.constant 1 : i32
      %dma_wait3A_883 = arith.constant 128 : i32
      %dma_wait3A_884 = arith.constant 0 : i32
      %dma_wait3A_885 = tpu.memref_slice %arg6[%dma_wait3A_880, %dma_wait3A_883, %dma_wait3A_884] : memref<3x256x128xf32, #tpu.memory_space<vmem>> -> memref<1x128x128xf32, #tpu.memory_space<vmem>>
      %dma_wait3A_886 = tpu.memref_squeeze %dma_wait3A_885 : memref<1x128x128xf32, #tpu.memory_space<vmem>> -> memref<128x128xf32, #tpu.memory_space<vmem>>
      %dma_wait3A_887 = arith.constant 0 : i32
      %dma_wait3A_888 = tpu.memref_slice %arg5[%dma_wait3A_881, %dma_wait3A_882, %dma_wait3A_887] : memref<3x2x128xi32, #tpu.memory_space<vmem>> -> memref<1x1x128xi32, #tpu.memory_space<vmem>>
      %dma_wait3A_889 = tpu.memref_squeeze %dma_wait3A_888 : memref<1x1x128xi32, #tpu.memory_space<vmem>> -> memref<128xi32, #tpu.memory_space<vmem>>
      %dma_wait3A_890 = arith.constant 0 : i32
      %dma_wait3A_891 = arith.constant 0 : i32
      %dma_wait3A_892 = tpu.memref_slice %arg8[%dma_wait3A_890, %dma_wait3A_891] : memref<256x128xf32, #tpu.memory_space<vmem_shared>> -> memref<256x128xf32, #tpu.memory_space<vmem_shared>>
      tpu.wait_indirect_dma semaphore(%arg12 : memref<!tpu.dma_semaphore, #tpu.memory_space<semaphore_mem>>) src(%dma_wait3A_886 : memref<128x128xf32, #tpu.memory_space<vmem>>) dst(%dma_wait3A_892 : memref<256x128xf32, #tpu.memory_space<vmem_shared>>)
    } else {
    }
    %eq3A_853 = arith.constant 1 : i32
    %eq3A_854 = arith.cmpi eq, %select_n3A_847, %eq3A_853 : i32
    %convert_element_type3A_855 = arith.extui %eq3A_854 : i1 to i32
    %cond3A_856 = arith.constant 0 : i32
    %cond3A_857 = arith.cmpi ne, %convert_element_type3A_855, %cond3A_856 : i32
    scf.if %cond3A_857 {
      %dma_wait3A = arith.constant 1 : i32
      %dma_wait3A_868 = arith.constant 1 : i32
      %dma_wait3A_869 = arith.constant 0 : i32
      %dma_wait3A_870 = arith.constant 0 : i32
      %dma_wait3A_871 = arith.constant 0 : i32
      %dma_wait3A_872 = tpu.memref_slice %arg6[%dma_wait3A, %dma_wait3A_870, %dma_wait3A_871] : memref<3x256x128xf32, #tpu.memory_space<vmem>> -> memref<1x128x128xf32, #tpu.memory_space<vmem>>
      %dma_wait3A_873 = tpu.memref_squeeze %dma_wait3A_872 : memref<1x128x128xf32, #tpu.memory_space<vmem>> -> memref<128x128xf32, #tpu.memory_space<vmem>>
      %dma_wait3A_874 = arith.constant 0 : i32
      %dma_wait3A_875 = tpu.memref_slice %arg5[%dma_wait3A_868, %dma_wait3A_869, %dma_wait3A_874] : memref<3x2x128xi32, #tpu.memory_space<vmem>> -> memref<1x1x128xi32, #tpu.memory_space<vmem>>
      %dma_wait3A_876 = tpu.memref_squeeze %dma_wait3A_875 : memref<1x1x128xi32, #tpu.memory_space<vmem>> -> memref<128xi32, #tpu.memory_space<vmem>>
      %dma_wait3A_877 = arith.constant 0 : i32
      %dma_wait3A_878 = arith.constant 0 : i32
      %dma_wait3A_879 = tpu.memref_slice %arg8[%dma_wait3A_877, %dma_wait3A_878] : memref<256x128xf32, #tpu.memory_space<vmem_shared>> -> memref<256x128xf32, #tpu.memory_space<vmem_shared>>
      tpu.wait_indirect_dma semaphore(%arg13 : memref<!tpu.dma_semaphore, #tpu.memory_space<semaphore_mem>>) src(%dma_wait3A_873 : memref<128x128xf32, #tpu.memory_space<vmem>>) dst(%dma_wait3A_879 : memref<256x128xf32, #tpu.memory_space<vmem_shared>>)
      %dma_wait3A_880 = arith.constant 1 : i32
      %dma_wait3A_881 = arith.constant 1 : i32
      %dma_wait3A_882 = arith.constant 1 : i32
      %dma_wait3A_883 = arith.constant 128 : i32
      %dma_wait3A_884 = arith.constant 0 : i32
      %dma_wait3A_885 = tpu.memref_slice %arg6[%dma_wait3A_880, %dma_wait3A_883, %dma_wait3A_884] : memref<3x256x128xf32, #tpu.memory_space<vmem>> -> memref<1x128x128xf32, #tpu.memory_space<vmem>>
      %dma_wait3A_886 = tpu.memref_squeeze %dma_wait3A_885 : memref<1x128x128xf32, #tpu.memory_space<vmem>> -> memref<128x128xf32, #tpu.memory_space<vmem>>
      %dma_wait3A_887 = arith.constant 0 : i32
      %dma_wait3A_888 = tpu.memref_slice %arg5[%dma_wait3A_881, %dma_wait3A_882, %dma_wait3A_887] : memref<3x2x128xi32, #tpu.memory_space<vmem>> -> memref<1x1x128xi32, #tpu.memory_space<vmem>>
      %dma_wait3A_889 = tpu.memref_squeeze %dma_wait3A_888 : memref<1x1x128xi32, #tpu.memory_space<vmem>> -> memref<128xi32, #tpu.memory_space<vmem>>
      %dma_wait3A_890 = arith.constant 0 : i32
      %dma_wait3A_891 = arith.constant 0 : i32
      %dma_wait3A_892 = tpu.memref_slice %arg8[%dma_wait3A_890, %dma_wait3A_891] : memref<256x128xf32, #tpu.memory_space<vmem_shared>> -> memref<256x128xf32, #tpu.memory_space<vmem_shared>>
      tpu.wait_indirect_dma semaphore(%arg13 : memref<!tpu.dma_semaphore, #tpu.memory_space<semaphore_mem>>) src(%dma_wait3A_886 : memref<128x128xf32, #tpu.memory_space<vmem>>) dst(%dma_wait3A_892 : memref<256x128xf32, #tpu.memory_space<vmem_shared>>)
    } else {
    }
    %eq3A_858 = arith.constant 2 : i32
    %eq3A_859 = arith.cmpi eq, %select_n3A_847, %eq3A_858 : i32
    %convert_element_type3A_860 = arith.extui %eq3A_859 : i1 to i32
    %cond3A_861 = arith.constant 0 : i32
    %cond3A_862 = arith.cmpi ne, %convert_element_type3A_860, %cond3A_861 : i32
    scf.if %cond3A_862 {
      %dma_wait3A = arith.constant 2 : i32
      %dma_wait3A_868 = arith.constant 2 : i32
      %dma_wait3A_869 = arith.constant 0 : i32
      %dma_wait3A_870 = arith.constant 0 : i32
      %dma_wait3A_871 = arith.constant 0 : i32
      %dma_wait3A_872 = tpu.memref_slice %arg6[%dma_wait3A, %dma_wait3A_870, %dma_wait3A_871] : memref<3x256x128xf32, #tpu.memory_space<vmem>> -> memref<1x128x128xf32, #tpu.memory_space<vmem>>
      %dma_wait3A_873 = tpu.memref_squeeze %dma_wait3A_872 : memref<1x128x128xf32, #tpu.memory_space<vmem>> -> memref<128x128xf32, #tpu.memory_space<vmem>>
      %dma_wait3A_874 = arith.constant 0 : i32
      %dma_wait3A_875 = tpu.memref_slice %arg5[%dma_wait3A_868, %dma_wait3A_869, %dma_wait3A_874] : memref<3x2x128xi32, #tpu.memory_space<vmem>> -> memref<1x1x128xi32, #tpu.memory_space<vmem>>
      %dma_wait3A_876 = tpu.memref_squeeze %dma_wait3A_875 : memref<1x1x128xi32, #tpu.memory_space<vmem>> -> memref<128xi32, #tpu.memory_space<vmem>>
      %dma_wait3A_877 = arith.constant 0 : i32
      %dma_wait3A_878 = arith.constant 0 : i32
      %dma_wait3A_879 = tpu.memref_slice %arg8[%dma_wait3A_877, %dma_wait3A_878] : memref<256x128xf32, #tpu.memory_space<vmem_shared>> -> memref<256x128xf32, #tpu.memory_space<vmem_shared>>
      tpu.wait_indirect_dma semaphore(%arg14 : memref<!tpu.dma_semaphore, #tpu.memory_space<semaphore_mem>>) src(%dma_wait3A_873 : memref<128x128xf32, #tpu.memory_space<vmem>>) dst(%dma_wait3A_879 : memref<256x128xf32, #tpu.memory_space<vmem_shared>>)
      %dma_wait3A_880 = arith.constant 2 : i32
      %dma_wait3A_881 = arith.constant 2 : i32
      %dma_wait3A_882 = arith.constant 1 : i32
      %dma_wait3A_883 = arith.constant 128 : i32
      %dma_wait3A_884 = arith.constant 0 : i32
      %dma_wait3A_885 = tpu.memref_slice %arg6[%dma_wait3A_880, %dma_wait3A_883, %dma_wait3A_884] : memref<3x256x128xf32, #tpu.memory_space<vmem>> -> memref<1x128x128xf32, #tpu.memory_space<vmem>>
      %dma_wait3A_886 = tpu.memref_squeeze %dma_wait3A_885 : memref<1x128x128xf32, #tpu.memory_space<vmem>> -> memref<128x128xf32, #tpu.memory_space<vmem>>
      %dma_wait3A_887 = arith.constant 0 : i32
      %dma_wait3A_888 = tpu.memref_slice %arg5[%dma_wait3A_881, %dma_wait3A_882, %dma_wait3A_887] : memref<3x2x128xi32, #tpu.memory_space<vmem>> -> memref<1x1x128xi32, #tpu.memory_space<vmem>>
      %dma_wait3A_889 = tpu.memref_squeeze %dma_wait3A_888 : memref<1x1x128xi32, #tpu.memory_space<vmem>> -> memref<128xi32, #tpu.memory_space<vmem>>
      %dma_wait3A_890 = arith.constant 0 : i32
      %dma_wait3A_891 = arith.constant 0 : i32
      %dma_wait3A_892 = tpu.memref_slice %arg8[%dma_wait3A_890, %dma_wait3A_891] : memref<256x128xf32, #tpu.memory_space<vmem_shared>> -> memref<256x128xf32, #tpu.memory_space<vmem_shared>>
      tpu.wait_indirect_dma semaphore(%arg14 : memref<!tpu.dma_semaphore, #tpu.memory_space<semaphore_mem>>) src(%dma_wait3A_886 : memref<128x128xf32, #tpu.memory_space<vmem>>) dst(%dma_wait3A_892 : memref<256x128xf32, #tpu.memory_space<vmem_shared>>)
    } else {
    }
    %barrier3A_863 = arith.constant 0 : index
    tpu.barrier barrier_id(%barrier3A_863)
    %mul3A_864 = arith.constant 16 : i32
    %mul3A_865 = arith.muli %arg1, %mul3A_864 : i32
    %mul3A_866 = arith.constant 16 : i32
    %mul3A_867 = arith.muli %arg1, %mul3A_866 : i32
    "tpu.region"() ({
      %run_scoped3A = tpu.sem_alloc : memref<!tpu.dma_semaphore, #tpu.memory_space<semaphore_mem>>
      %dma_start3A_868 = arith.constant 0 : i32
      %dma_start3A_869 = tpu.memref_slice %arg4[%arg0, %mul3A_867, %dma_start3A_868] : memref<2x256x128xf32, #tpu.memory_space<hbm>> -> memref<1x16x128xf32, #tpu.memory_space<hbm>>
      %dma_start3A_870 = tpu.memref_squeeze %dma_start3A_869 : memref<1x16x128xf32, #tpu.memory_space<hbm>> -> memref<16x128xf32, #tpu.memory_space<hbm>>
      %dma_start3A_871 = arith.constant 0 : i32
      %dma_start3A_872 = tpu.memref_slice %arg8[%mul3A_865, %dma_start3A_871] : memref<256x128xf32, #tpu.memory_space<vmem_shared>> -> memref<16x128xf32, #tpu.memory_space<vmem_shared>>
      tpu.enqueue_dma source(%dma_start3A_872 : memref<16x128xf32, #tpu.memory_space<vmem_shared>>) target(%dma_start3A_870 : memref<16x128xf32, #tpu.memory_space<hbm>>) target_semaphore(%run_scoped3A : memref<!tpu.dma_semaphore, #tpu.memory_space<semaphore_mem>>)
      %dma_wait3A = arith.constant 0 : i32
      %dma_wait3A_873 = tpu.memref_slice %arg4[%arg0, %mul3A_867, %dma_wait3A] : memref<2x256x128xf32, #tpu.memory_space<hbm>> -> memref<1x16x128xf32, #tpu.memory_space<hbm>>
      %dma_wait3A_874 = tpu.memref_squeeze %dma_wait3A_873 : memref<1x16x128xf32, #tpu.memory_space<hbm>> -> memref<16x128xf32, #tpu.memory_space<hbm>>
      %dma_wait3A_875 = arith.constant 0 : i32
      %dma_wait3A_876 = tpu.memref_slice %arg8[%mul3A_865, %dma_wait3A_875] : memref<256x128xf32, #tpu.memory_space<vmem_shared>> -> memref<16x128xf32, #tpu.memory_space<vmem_shared>>
      tpu.wait_dma2 semaphore(%run_scoped3A : memref<!tpu.dma_semaphore, #tpu.memory_space<semaphore_mem>>) src(%dma_wait3A_876 : memref<16x128xf32, #tpu.memory_space<vmem_shared>>) dst(%dma_wait3A_874 : memref<16x128xf32, #tpu.memory_space<hbm>>)
      tpu.yield
    }) : () -> ()
    return
  }
}

module attributes {stable_mosaic.version = 14 : i64} {
  func.func @_tc_body(%arg0: i32, %arg1: memref<1x1x2560xi32, #tpu.memory_space<vmem>>, %arg2: memref<2560x128xf32, #tpu.memory_space<vmem>>, %arg3: memref<256x128xf32, #tpu.memory_space<vmem>>) attributes {dimension_semantics = [#tpu.dimension_semantics<arbitrary>], iteration_bounds = array<i64: 26>, scalar_prefetch = 0 : i64, scratch_operands = 0 : i64, tpu.core_type = #tpu.core_type<tc>, window_params = [{transform_indices = @transform_0, window_bounds = array<i64: 1, 1, 2560>}, {transform_indices = @transform_1, window_bounds = array<i64: 2560, 128>}, {pipeline_mode = #tpu.pipeline_mode<synchronous>, transform_indices = @transform_2, window_bounds = array<i64: 256, 128>}]} {
    %get3A = arith.constant 0 : index
    %get3A_0 = arith.constant 0 : index
    %get3A_1 = arith.constant 0 : index
    %get3A_2 = vector.load %arg1[%get3A, %get3A_0, %get3A_1] : memref<1x1x2560xi32, #tpu.memory_space<vmem>>, vector<1x1x2560xi32>
    %get3A_3 = vector.shape_cast %get3A_2 : vector<1x1x2560xi32> to vector<2560xi32>
    %iota3A = tpu.iota {dimensions = array<i32: 0>} : vector<256x2560xi32>
    %broadcast_in_dim3A = vector.shape_cast %get3A_3 : vector<2560xi32> to vector<1x2560xi32>
    %eq3A = vector.broadcast %broadcast_in_dim3A : vector<1x2560xi32> to vector<256x2560xi32>
    %eq3A_4 = arith.cmpi eq, %iota3A, %eq3A : vector<256x2560xi32>
    %convert_element_type3A = arith.extui %eq3A_4 : vector<256x2560xi1> to vector<256x2560xi32>
    %convert_element_type3A_5 = arith.sitofp %convert_element_type3A : vector<256x2560xi32> to vector<256x2560xf32>
    %convert_element_type3A_6 = arith.truncf %convert_element_type3A_5 : vector<256x2560xf32> to vector<256x2560xbf16>
    %get3A_7 = arith.constant 0 : index
    %get3A_8 = arith.constant 0 : index
    %get3A_9 = vector.load %arg2[%get3A_7, %get3A_8] : memref<2560x128xf32, #tpu.memory_space<vmem>>, vector<2560x128xf32>
    %convert_element_type3A_10 = arith.truncf %get3A_9 : vector<2560x128xf32> to vector<2560x128xbf16>
    %convert_element_type3A_11 = arith.extf %convert_element_type3A_10 : vector<2560x128xbf16> to vector<2560x128xf32>
    %sub3A = arith.subf %get3A_9, %convert_element_type3A_11 : vector<2560x128xf32>
    %convert_element_type3A_12 = arith.truncf %sub3A : vector<2560x128xf32> to vector<2560x128xbf16>
    %dot_general3A = arith.constant dense<0.000000e+00> : vector<256x128xf32>
    %dot_general3A_13 = tpu.matmul %convert_element_type3A_6, %convert_element_type3A_10, %dot_general3A {dimension_numbers = #tpu.dot_dimension_numbers<[1], [0], [0], [1], [0, 0, 1, 1], [], []>, transpose_lhs_hint = false} : vector<256x2560xbf16>, vector<2560x128xbf16>, vector<256x128xf32> -> vector<256x128xf32>
    %dot_general3A_14 = arith.constant dense<0.000000e+00> : vector<256x128xf32>
    %dot_general3A_15 = tpu.matmul %convert_element_type3A_6, %convert_element_type3A_12, %dot_general3A_14 {dimension_numbers = #tpu.dot_dimension_numbers<[1], [0], [0], [1], [0, 0, 1, 1], [], []>, transpose_lhs_hint = false} : vector<256x2560xbf16>, vector<2560x128xbf16>, vector<256x128xf32> -> vector<256x128xf32>
    %add3A = arith.addf %dot_general3A_13, %dot_general3A_15 : vector<256x128xf32>
    %eq3A_16 = arith.constant 0 : i32
    %eq3A_17 = arith.cmpi eq, %arg0, %eq3A_16 : i32
    %convert_element_type3A_18 = arith.extui %eq3A_17 : i1 to i32
    %cond3A = arith.constant 0 : i32
    %cond3A_19 = arith.cmpi ne, %convert_element_type3A_18, %cond3A : i32
    scf.if %cond3A_19 {
      %swap3A = arith.constant 0 : index
      %swap3A_24 = arith.constant 0 : index
      %swap3A_25 = vector.load %arg3[%swap3A, %swap3A_24] : memref<256x128xf32, #tpu.memory_space<vmem>>, vector<256x128xf32>
      tpu.vector_store %arg3[%swap3A, %swap3A_24], %add3A {strides = array<i32>} : memref<256x128xf32, #tpu.memory_space<vmem>>, vector<256x128xf32>,
    } else {
    }
    %gt3A = arith.constant 0 : i32
    %gt3A_20 = arith.cmpi sgt, %arg0, %gt3A : i32
    %convert_element_type3A_21 = arith.extui %gt3A_20 : i1 to i32
    %cond3A_22 = arith.constant 0 : i32
    %cond3A_23 = arith.cmpi ne, %convert_element_type3A_21, %cond3A_22 : i32
    scf.if %cond3A_23 {
      %get3A_24 = arith.constant 0 : index
      %get3A_25 = arith.constant 0 : index
      %get3A_26 = vector.load %arg3[%get3A_24, %get3A_25] : memref<256x128xf32, #tpu.memory_space<vmem>>, vector<256x128xf32>
      %add3A_27 = arith.addf %get3A_26, %add3A : vector<256x128xf32>
      %swap3A = arith.constant 0 : index
      %swap3A_28 = arith.constant 0 : index
      %swap3A_29 = vector.load %arg3[%swap3A, %swap3A_28] : memref<256x128xf32, #tpu.memory_space<vmem>>, vector<256x128xf32>
      tpu.vector_store %arg3[%swap3A, %swap3A_28], %add3A_27 {strides = array<i32>} : memref<256x128xf32, #tpu.memory_space<vmem>>, vector<256x128xf32>,
    } else {
    }
    return
  }
  func.func @transform_0(%arg0: i32) -> (i32, i32, i32) {
    %add3A = arith.constant 99 : i32
    %add3A_0 = arith.addi %arg0, %add3A : i32
    %c0_i32 = arith.constant 0 : i32
    %c0_i32_1 = arith.constant 0 : i32
    %c0_i32_2 = arith.constant 0 : i32
    return %add3A_0, %c0_i32, %c0_i32_1 : i32, i32, i32
  }
  func.func @transform_1(%arg0: i32) -> (i32, i32) {
    %add3A = arith.constant 99 : i32
    %add3A_0 = arith.addi %arg0, %add3A : i32
    %c0_i32 = arith.constant 0 : i32
    %c0_i32_1 = arith.constant 0 : i32
    return %add3A_0, %c0_i32 : i32, i32
  }
  func.func @transform_2(%arg0: i32) -> (i32, i32) {
    %c0_i32 = arith.constant 0 : i32
    %c0_i32_0 = arith.constant 0 : i32
    %c0_i32_1 = arith.constant 0 : i32
    return %c0_i32, %c0_i32_0 : i32, i32
  }
}

module attributes {stable_mosaic.version = 14 : i64} {
  func.func @_combine_body(%arg0: memref<2x256x128xf32, #tpu.memory_space<vmem>>, %arg1: memref<256x128xf32, #tpu.memory_space<vmem>>, %arg2: memref<256x128xf32, #tpu.memory_space<vmem>>) attributes {dimension_semantics = [], scalar_prefetch = 0 : i64, scratch_operands = 0 : i64, tpu.core_type = #tpu.core_type<tc>} {
    %get3A = arith.constant 0 : index
    %get3A_0 = arith.constant 0 : index
    %get3A_1 = arith.constant 0 : index
    %get3A_2 = vector.load %arg0[%get3A, %get3A_0, %get3A_1] : memref<2x256x128xf32, #tpu.memory_space<vmem>>, vector<1x256x128xf32>
    %get3A_3 = vector.shape_cast %get3A_2 : vector<1x256x128xf32> to vector<256x128xf32>
    %get3A_4 = arith.constant 1 : index
    %get3A_5 = arith.constant 0 : index
    %get3A_6 = arith.constant 0 : index
    %get3A_7 = vector.load %arg0[%get3A_4, %get3A_5, %get3A_6] : memref<2x256x128xf32, #tpu.memory_space<vmem>>, vector<1x256x128xf32>
    %get3A_8 = vector.shape_cast %get3A_7 : vector<1x256x128xf32> to vector<256x128xf32>
    %add3A = arith.addf %get3A_3, %get3A_8 : vector<256x128xf32>
    %get3A_9 = arith.constant 0 : index
    %get3A_10 = arith.constant 0 : index
    %get3A_11 = vector.load %arg1[%get3A_9, %get3A_10] : memref<256x128xf32, #tpu.memory_space<vmem>>, vector<256x128xf32>
    %add3A_12 = arith.addf %add3A, %get3A_11 : vector<256x128xf32>
    %swap3A = arith.constant 0 : index
    %swap3A_13 = arith.constant 0 : index
    %swap3A_14 = vector.load %arg2[%swap3A, %swap3A_13] : memref<256x128xf32, #tpu.memory_space<vmem>>, vector<256x128xf32>
    tpu.vector_store %arg2[%swap3A, %swap3A_13], %add3A_12 {strides = array<i32>} : memref<256x128xf32, #tpu.memory_space<vmem>>, vector<256x128xf32>,
    return
  }
}

</mosaic_0001>

<sc_bundles>
// kernel: kernel.5.cloned.1.call-start
scs
__scs_entry_jumppad:
0x0: {  	(pc) =	sbr.rel $0x88, $3  }
0x1: {  	(tag) =	ssettag $0x0;
	lr =	simm.s32 $0x1  }
0x2: {  	[smem:$0x3F9E] =	sst lr;
	_ =	strace $0xD0000000  }
0x3: {  	_ = 	snop  }
0x4: {  	_ = 	snop  }
0x5: {  	_ = 	snop  }
0x6: {  	_ = 	snop  }
0x7: {  	_ = 	snop  }
__scs_overlays_trampoline_lowered:
0x8: {  	[smem:$0x3FAD] =	sst s0  }
0x9: {  	[smem:$0x3FAE] =	sst s1  }
0xa: {  	[smem:$0x3FAF] =	sst s2  }
0xb: {  	[smem:$0x3FB0] =	sst s3  }
0xc: {  	[smem:$0x3FB1] =	sst s4  }
0xd: {  	[smem:$0x3FB2] =	sst s5  }
0xe: {  	[smem:$0x3FB3] =	sst s6  }
0xf: {  	[smem:$0x3FB4] =	sst s7  }
0x10: {  	[smem:$0x3FB5] =	sst s8  }
0x11: {  	[smem:$0x3FB6] =	sst s9;
	s0 =	simm.s32 @!p0 $0x0  }
0x12: {  	s1 =	sld [smem:$0x3F9C];
	s0 =	simm.s32 @p0 $0x1  }
0x13: {  	[smem:$0x3FB7] =	sst s0;
	s0 =	simm.s32 @!p1 $0x0  }
0x14: {  	s2 =	sld [smem:$0x3F9B];
	s0 =	simm.s32 @p1 $0x1  }
0x15: {  	[smem:$0x3FB8] =	sst s0;
	s0 =	simm.s32 @!p2 $0x0  }
0x16: {  	s3 =	sld [smem:$0x3FDB];
	s0 =	simm.s32 @p2 $0x1  }
0x17: {  	s4 =	simm.s32 $0x1BF5;
	[smem:$0x3FBA] =	sst s0  }
0x18: {  	s0 =	sld [smem:$0x3F9D];
	_ =	swait.ge [sflag:s4], $0x0  }
0x19: {  	s7 =	sld [smem:$0x3F9E]  }
0x1a: {  	s8 =	sadd.s32 $0xFFFFE003, lr  }
0x1b: {  	s9 =	sadd.s32 $0xFFFFFEF7, lr;
	s5 =	simm.s32 $0xFFFFFFFF;
	p2 =	slt.u32 s8, $0xFFFFF086  }
0x1c: {  	p1 =	slt.u32 s9, $0xF7A;
	s5 =	simm.s32 @!p2 $0x0  }
0x1d: {  	s5 =	simm.s32 @p1 $0x1;
	p0 =	seq.s32 s7, s2  }
0x1e: {  	s7 =	smul.u32 @!p0 $0xF7A, s2;
	p2 =	seq.s32 @!p0 s5, $0x0  }
0x1f: {  	s9 =	smul.u32 $0xF7A, s1;
	s8 =	simm.s32 @!p0 $0x1BF5;
	p2 =	por !p2, p0  }
0x20: {  	[sflag:s8] =	ssyncset.s32 @!p0 $0xFFFFF086;
	s6 =	sadd.s32 @!p0 s3, s7;
	s7 =	simm.s32 @!p0 $0x108  }
0x21: {  	s3 =	sadd.s32 s3, s9;
	s6 =	sadd.s32 @!p0 $0x88, s6;
	s7 =	simm.s32 @p2 $0x1082  }
0x22: {  	[simem:s7], [sflag:s8] =	dma.local @!p0 [hbm:s6], $0xF7A  }
0x23: {  	s9 =	sor.u32 $0xD0000000, s2;
	s6 =	simm.s32 $0x108;
	_ =	swait.ge @!p0 [sflag:s8], $0x0  }
0x24: {  	s3 =	sadd.s32 $0x88, s3;
	s6 =	simm.s32 @!p1 $0x1082;
	[sflag:s4] =	ssyncset.s32 $0xFFFFF086  }
0x25: {  	[simem:s6], [sflag:s4] =	dma.local [hbm:s3], $0xF7A  }
0x26: {  	[smem:$0x3F9E] =	sst s1;
	(tag) =	ssettag s2;
	_ =	strace s9  }
0x27: {  	s1 =	sld [smem:$0x3FAE]  }
0x28: {  	s2 =	sld [smem:$0x3FAF]  }
0x29: {  	s4 =	sld [smem:$0x3FB1]  }
0x2a: {  	p0 =	seq.s32 s5, $0x0;
	s5 =	sld [smem:$0x3FB2]  }
0x2b: {  	s6 =	sld [smem:$0x3FB3]  }
0x2c: {  	s7 =	sld [smem:$0x3FB4]  }
0x2d: {  	s3 =	simm.s32 $0x108;
	s8 =	sld [smem:$0x3FB5]  }
0x2e: {  	s3 =	simm.s32 @!p0 $0x1082;
	s9 =	sld [smem:$0x3FB6]  }
0x2f: {  	lr =	sadd.s32 s0, s3;
	s0 =	sld [smem:$0x3FAD]  }
0x30: {  	s3 =	sld [smem:$0x3FB0]  }
0x31: {  	[smem:$0x3FB9] =	sst s10  }
0x32: {  	s10 =	sld [smem:$0x3FB7];
	_ =	sdelay $0x3  }
0x33: {  	p0 =	seq.s32 s10, $0x1;
	s10 =	sld [smem:$0x3FB9];
	_ =	sdelay $0x3  }
0x34: {  	[smem:$0x3FB9] =	sst s10  }
0x35: {  	s10 =	sld [smem:$0x3FB8];
	_ =	sdelay $0x3  }
0x36: {  	p1 =	seq.s32 s10, $0x1;
	s10 =	sld [smem:$0x3FB9];
	_ =	sdelay $0x3  }
0x37: {  	[smem:$0x3FB9] =	sst s10  }
0x38: {  	s10 =	sld [smem:$0x3FBA]  }
0x39: {  	_ = 	snop;
	(pc) =	sbr.ind lr, $3  }
0x3a: {  	_ = 	snop  }
0x3b: {  	_ = 	snop  }
0x3c: {  	p2 =	seq.s32 s10, $0x1;
	s10 =	sld [smem:$0x3FB9]  }
0x3d: {  	_ =	shalt  }
0x3e: {  	_ =	shalt  }
0x3f: {  	_ =	shalt  }
0x40: {  	_ =	shalt  }
0x41: {  	_ =	shalt  }
0x42: {  	_ =	shalt  }
0x43: {  	_ =	shalt  }
0x44: {  	_ =	shalt  }
0x45: {  	_ =	shalt  }
0x46: {  	_ =	shalt  }
0x47: {  	_ =	shalt  }
0x48: {  	_ =	shalt  }
0x49: {  	_ =	shalt  }
0x4a: {  	_ =	shalt  }
0x4b: {  	_ =	shalt  }
0x4c: {  	_ =	shalt  }
0x4d: {  	_ =	shalt  }
0x4e: {  	_ =	shalt  }
0x4f: {  	_ =	shalt  }
0x50: {  	_ =	shalt  }
0x51: {  	_ =	shalt  }
0x52: {  	_ =	shalt  }
0x53: {  	_ =	shalt  }
0x54: {  	_ =	shalt  }
0x55: {  	_ =	shalt  }
0x56: {  	_ =	shalt  }
0x57: {  	_ =	shalt  }
0x58: {  	_ =	shalt  }
0x59: {  	_ =	shalt  }
0x5a: {  	_ =	shalt  }
0x5b: {  	_ =	shalt  }
0x5c: {  	_ =	shalt  }
0x5d: {  	_ =	shalt  }
0x5e: {  	_ =	shalt  }
0x5f: {  	_ =	shalt  }
0x60: {  	_ =	shalt  }
0x61: {  	_ =	shalt  }
0x62: {  	_ =	shalt  }
0x63: {  	_ =	shalt  }
0x64: {  	_ =	shalt  }
0x65: {  	_ =	shalt  }
0x66: {  	_ =	shalt  }
0x67: {  	_ =	shalt  }
0x68: {  	_ =	shalt  }
0x69: {  	_ =	shalt  }
0x6a: {  	_ =	shalt  }
0x6b: {  	_ =	shalt  }
0x6c: {  	_ =	shalt  }
0x6d: {  	_ =	shalt  }
0x6e: {  	_ =	shalt  }
0x6f: {  	_ =	shalt  }
0x70: {  	_ =	shalt  }
0x71: {  	_ =	shalt  }
0x72: {  	_ =	shalt  }
0x73: {  	_ =	shalt  }
0x74: {  	_ =	shalt  }
0x75: {  	_ =	shalt  }
0x76: {  	_ =	shalt  }
0x77: {  	_ =	shalt  }
0x78: {  	_ =	shalt  }
0x79: {  	_ =	shalt  }
0x7a: {  	_ =	shalt  }
0x7b: {  	_ =	shalt  }
0x7c: {  	_ =	shalt  }
0x7d: {  	_ =	shalt  }
0x7e: {  	_ =	shalt  }
0x7f: {  	_ =	shalt  }
0x80: {  	_ =	shalt  }
0x81: {  	_ =	shalt  }
0x82: {  	_ =	shalt  }
0x83: {  	_ =	shalt  }
0x84: {  	_ =	shalt  }
0x85: {  	_ =	shalt  }
0x86: {  	_ =	shalt  }
0x87: {  	_ =	shalt  }
.Lfunc_end0:
.L_simem_size_0:
called_computation_lowered:
.L_overlay_start_0:
0x88: {  	s2 =	sld [smem:$0x3FD9]  }
0x89: {  	s3 =	sld [smem:$0x3FFE];
	_ =	sdelay $0x1  }
0x8a: {  	s1 =	srdreg.scid  }
0x8b: {  	s0 =	sand.u32 $0x1, s1  }
0x8c: {  	s17 =	sshll.u32 s0, $0xA;
	s2 =	sadd.s32 s3, s2  }
0x8d: {  	s2 =	sadd.s32 s2, s17  }
0x8e: {  	[smem:$0x3FC5] =	sst s2  }
0x8f: {  	_ = 	snop  }
0x90: {  	s2 =	sld [smem:$0x3FC9];
	(tm) =	ssettm $0x1  }
0x91: {  	s18 =	sld [smem:$0x3FFB];
	_ =	sdelay $0x3  }
0x92: {  	_ =	strace s18  }
0x93: {  	s3 =	sld [smem:$0x3FFC];
	_ =	sdelay $0x3  }
0x94: {  	_ =	strace s3  }
0x95: {  	s3 =	sld [smem:$0x3FFD];
	_ =	sdelay $0x3  }
0x96: {  	_ =	strace s3  }
0x97: {  	_ =	strace $0x8FFFFFFF  }
0x98: {  	s19 =	sld [smem:$0x3FDB];
	_ =	sdelay $0x1  }
0x99: {  	s4 =	simm.s32 $_scs_section_size  }
0x9a: {  	s5 =	simm.s32 $_size__tile_overlayer_lowered;
	s6 =	simm.s32 $_tile_overlayer_lowered  }
0x9b: {  	s22 =	simm.s32 $0x1BFF;
	s21 =	sshll.u32 s6, $0x1;
	s3 =	sadd.s32 s4, s19  }
0x9c: {  	s7 =	simm.s32 $0x0;
	s20 =	sshll.u32 s5, $0x1;
	s5 =	sadd.s32 s21, s3  }
0x9d: {  	[timem:s7], [sflag:s22] =	dma.local [hbm:s5], s20  }
0x9e: {  	_ =	swait.ge [sflag:s22], s20  }
0x9f: {  	s4 =	ssub.s32 $0x0, s20;
	[sflag:s22] =	ssyncset.done $0x0  }
0xa0: {  	[sflag:s22] =	ssyncadd.s32 s4;
	_ =	sdelay $0x1  }
0xa1: {  	s23 =	simm.s32 $0x1B8B  }
0xa2: {  	_ =	swait.ge [sflag:s23], $0x1  }
0xa3: {  	[sflag:s23] =	ssyncset.done $0x0  }
0xa4: {  	s25 =	simm.s32 $0x1B8E;
	s24 =	sld [smem:$0x3FFE];
	[sflag:s23] =	ssyncadd.s32 $0xFFFFFFFF  }
0xa5: {  	s26 =	simm.s32 $execute0_lowered;
	[smem:$0x3FD2] =	sst s25  }
0xa6: {  	s5 =	sshll.u32 s26, $0x1;
	_ =	strace $0x80000046;
	[dreg:$0x1] =	wrdreg $0xFFFFFFFF  }
0xa7: {  	s28 =	simm.s32 $_size_execute0_lowered;
	s3 =	sadd.s32 s3, s5;
	[dreg:$0x0] =	wrdreg $0x0  }
0xa8: {  	s5 =	sshll.u32 s28, $0x1;
	[dreg:$0x2] =	wrdreg s3  }
0xa9: {  	[dreg:$0x3] =	wrdreg s5  }
0xaa: {  	[dreg:$0x4] =	wrdreg $0xC0  }
0xab: {  	_ =	task [dreg:s7], $0x5FFFF  }
0xac: {  	[dreg:$0x1] =	wrdreg $0xFFFFFFFF  }
0xad: {  	[dreg:$0x0] =	wrdreg $0x60  }
0xae: {  	[dreg:$0x2] =	wrdreg s2  }
0xaf: {  	[dreg:$0x3] =	wrdreg s24  }
0xb0: {  	[dreg:$0x4] =	wrdreg $0x18B000  }
0xb1: {  	[dreg:$0x5] =	wrdreg $0x9  }
0xb2: {  	_ =	task.clear_ibuf [dreg:s7], $0x6FFFF;
	_ =	strace $0x90000046  }
0xb3: {  	s29 =	simm.s32 $0x9;
	_ =	strace $0x80000048  }
0xb4: {  	_ =	swait.ge [sflag:s29], $0x1  }
0xb5: {  	[sflag:s29] =	ssyncadd.s32 $0xFFFFFFFF  }
0xb6: {  	_ =	strace $0x90000048  }
0xb7: {  	_ =	sfence  }
0xb8: {  	s30 =	sld [smem:$0x0];
	_ =	sdelay $0x2  }
0xb9: {  	s31 =	sshll.u32 s1, $0xD;
	s1 =	sshrl.u32 s1, $0x2  }
0xba: {  	s3 =	sand.u32 $0x4000, s31;
	s1 =	sadd.s32 s1, s30  }
0xbb: {  	s0 =	sor.u32 s3, s0;
	s1 =	sshll.u32 s1, $0x11  }
0xbc: {  	s0 =	sor.u32 s1, s0  }
0xbd: {  	s0 =	sadd.s32 $0x8F2B, s0  }
0xbe: {  	[sflag:s0] =	ssyncadd.remote.s32 $0x1  }
0xbf: {  	_ =	sfence.sel $0xFFFF  }
0xc0: {  	[dreg:$0x0] =	wrdreg $0xFFFFFFFF;
	(pc) =	sbr.abs _section_cstart, $3  }
0xc1: {  	[dreg:$0x1] =	wrdreg $0xFFFFFFFF  }
0xc2: {  	_ =	task.clear_ibuf [dreg:s7], $0x2FFFF;
	_ =	strace $0x9FFFFFFF  }
0xc3: {  	(tm) =	ssettm $0x7FFFFFFF  }
tec
execute0_lowered:
.L_overlay_start_1:
0x0: {  	(tag) =	ssettag $0x1  }
0x1: {  	s0 =	rddreg [dreg:$0x0]  }
0x2: {  	s2 =	rddreg [dreg:$0x1]  }
0x3: {  	s1 =	rddreg [dreg:$0x2];
	s3 =	simm.s32 $0x0;
	s19 =	stileid.u32  }
0x4: {  	s4 =	srdreg.scid;
	[smem:$0x7FF] =	sst s3;
	s15 =	sadd.s32 $0x800, s2  }
0x5: {  	s5 =	sshll.u32 s19, $0x8;
	s13 =	sand.u32 $0x1, s4;
	s8 =	sshll.u32 s19, $0x1  }
0x6: {  	_ =	strace $0x80000047;
	s2 =	sadd.s32 s5, s2;
	s9 =	ssub.s32 $0x2, s13  }
0x7: {  	s14 =	sor.u32 s13, s8;
	s22 =	sshll.u32 s13, $0xC;
	s26 =	sshll.u32 s13, $0x5  }
0x8: {  	s10 =	sshrl.u32 s9, $0x1;
	s6 =	sshll.u32 s14, $0xC;
	s7 =	ssub.s32 $0x3FD, s14  }
0x9: {  	s16 =	sshll.u32 s14, $0x5;
	s17 =	sor.u32 $0x20, s14;
	s2 =	sadd.s32 s22, s2  }
0xa: {  	s13 =	sor.u32 $0x40, s14;
	s10 =	ssub.s32 s9, s10;
	s11 =	sadd.s32 s0, s6  }
0xb: {  	s12 =	sshrl.u32 s7, $0x5;
	s8 =	sand.u32 $0x60, s16;
	s18 =	sshll.u32 s17, $0xC  }
0xc: {  	s20 =	sadd.s32 s15, s16;
	s7 =	sshll.u32 s17, $0x5;
	s23 =	sor.u32 $0x1000, s16  }
0xd: {  	s28 =	sor.u32 $0xC00, s16;
	s29 =	sshll.u32 s13, $0x5;
	[dreg:$0x4] =	wrdreg s11  }
0xe: {  	s9 =	sadd.s32 $0xFFFFFFFF, s12;
	[dreg:$0x5] =	wrdreg s20;
	s21 =	sadd.s32 s0, s18  }
0xf: {  	s7 =	sand.u32 $0x780, s7;
	s12 =	sshll.u32 s19, $0xD;
	s8 =	sadd.s32 s15, s8  }
0x10: {  	s24 =	sand.u32 $0x1380, s23;
	s10 =	smax.u32 s10, $0x1;
	s11 =	smul.u32 $0xAB, s9  }
0x11: {  	s30 =	sand.u32 $0xF80, s28;
	s16 =	sand.u32 $0xB80, s29;
	[dreg:$0x6] =	wrdreg s21  }
0x12: {  	s17 =	sshrl.u32 s12, $0x2;
	s7 =	sadd.s32 s7, s8;
	s11 =	sshrl.u32 s11, $0x9  }
0x13: {  	s0 =	sadd.s32 s12, s0;
	s25 =	sadd.s32 s24, s15;
	s11 =	smul.u32 $0x3, s11  }
0x14: {  	s12 =	sshll.u32 s19, $0x6;
	s31 =	sadd.s32 s30, s15;
	s16 =	sadd.s32 s16, s15  }
0x15: {  	s21 =	simm.s32 $0x7;
	s8 =	sadd.s32 s17, s1;
	s18 =	ssub.s32 s9, s11  }
0x16: {  	s9 =	sadd.s32 $0xA600, s2;
	s11 =	sadd.s32 s22, s0;
	s0 =	sand.u32 $0xFF, s18  }
0x17: {  	s2 =	sor.u32 s26, s12;
	s22 =	simm.s32 $0x0;
	p0 =	seq.s32 s0, $0x0  }
0x18: {  	s2 =	sand.u32 $0x60, s2;
	p1 =	seq.s32 @!p0 s0, $0x2;
	s0 =	simm.s32 @!p0 $0x0  }
0x19: {  	s14 =	sadd.s32 s2, s25;
	s15 =	sadd.s32 s2, s31;
	s0 =	simm.s32 @p0 $0x1  }
0x1a: {  	v0 =	vimm.f32 $0.0e+00;
	s16 =	sadd.s32 s2, s16;
	p1 =	por !p1, p0;
	[smem:$0x7FD] =	sst s0  }
.LBB2_1:
0x1b: {  	s0 =	rddreg [dreg:$0x4];
	s2 =	simm.s32 $0x300  }
0x1c: {  	[tilespmem:s2], [sflag:$0x1] =	stream.linear.gather [hbm4b:s0+s3], $0x8000, $0x38;
	[tilespmem:$0x19300] =	vst v63  }
0x1d: {  	s23 =	rddreg [dreg:$0x5]  }
0x1e: {  	[tilespmem:s3], [sflag:$0x1] =	stream.linear.gather [hbm4b:s23+s3], $0x100, $0x38;
	[tilespmem:$0x19300] =	vst v63  }
0x1f: {  	s24 =	rddreg [dreg:$0x6];
	s25 =	simm.s32 $0x8300  }
0x20: {  	[tilespmem:s25], [sflag:$0x2] =	stream.linear.gather [hbm4b:s24+s3], $0x8000, $0x38;
	[tilespmem:$0x19300] =	vst v63  }
0x21: {  	s26 =	simm.s32 $0x100  }
0x22: {  	[tilespmem:s26], [sflag:$0x2] =	stream.linear.gather [hbm4b:s7+s3], $0x100, $0x38;
	[tilespmem:$0x19300] =	vst v63  }
0x23: {  	[tilespmem:$0x18300] =	vst v0  }
0x24: {  	[tilespmem:$0x18310] =	vst v0  }
0x25: {  	[tilespmem:$0x18320] =	vst v0  }
0x26: {  	[tilespmem:$0x18330] =	vst v0  }
0x27: {  	[tilespmem:$0x18340] =	vst v0  }
0x28: {  	[tilespmem:$0x18350] =	vst v0  }
0x29: {  	[tilespmem:$0x18360] =	vst v0  }
0x2a: {  	[tilespmem:$0x18370] =	vst v0  }
0x2b: {  	[tilespmem:$0x18380] =	vst v0  }
0x2c: {  	[tilespmem:$0x18390] =	vst v0  }
0x2d: {  	[tilespmem:$0x183A0] =	vst v0  }
0x2e: {  	[tilespmem:$0x183B0] =	vst v0  }
0x2f: {  	[tilespmem:$0x183C0] =	vst v0  }
0x30: {  	[tilespmem:$0x183D0] =	vst v0  }
0x31: {  	[tilespmem:$0x183E0] =	vst v0  }
0x32: {  	[tilespmem:$0x183F0] =	vst v0  }
0x33: {  	[tilespmem:$0x18400] =	vst v0  }
0x34: {  	[tilespmem:$0x18410] =	vst v0  }
0x35: {  	[tilespmem:$0x18420] =	vst v0  }
0x36: {  	[tilespmem:$0x18430] =	vst v0  }
0x37: {  	[tilespmem:$0x18440] =	vst v0  }
0x38: {  	[tilespmem:$0x18450] =	vst v0  }
0x39: {  	[tilespmem:$0x18460] =	vst v0  }
0x3a: {  	[tilespmem:$0x18470] =	vst v0  }
0x3b: {  	[tilespmem:$0x18480] =	vst v0  }
0x3c: {  	[tilespmem:$0x18490] =	vst v0  }
0x3d: {  	[tilespmem:$0x184A0] =	vst v0  }
0x3e: {  	[tilespmem:$0x184B0] =	vst v0  }
0x3f: {  	[tilespmem:$0x184C0] =	vst v0  }
0x40: {  	[tilespmem:$0x184D0] =	vst v0  }
0x41: {  	[tilespmem:$0x184E0] =	vst v0  }
0x42: {  	[tilespmem:$0x184F0] =	vst v0  }
0x43: {  	[tilespmem:$0x18500] =	vst v0  }
0x44: {  	[tilespmem:$0x18510] =	vst v0  }
0x45: {  	[tilespmem:$0x18520] =	vst v0  }
0x46: {  	[tilespmem:$0x18530] =	vst v0  }
0x47: {  	[tilespmem:$0x18540] =	vst v0  }
0x48: {  	[tilespmem:$0x18550] =	vst v0  }
0x49: {  	[tilespmem:$0x18560] =	vst v0  }
0x4a: {  	[tilespmem:$0x18570] =	vst v0  }
0x4b: {  	[tilespmem:$0x18580] =	vst v0  }
0x4c: {  	[tilespmem:$0x18590] =	vst v0  }
0x4d: {  	[tilespmem:$0x185A0] =	vst v0  }
0x4e: {  	[tilespmem:$0x185B0] =	vst v0  }
0x4f: {  	[tilespmem:$0x185C0] =	vst v0  }
0x50: {  	[tilespmem:$0x185D0] =	vst v0  }
0x51: {  	[tilespmem:$0x185E0] =	vst v0  }
0x52: {  	[tilespmem:$0x185F0] =	vst v0  }
0x53: {  	[tilespmem:$0x18600] =	vst v0  }
0x54: {  	[tilespmem:$0x18610] =	vst v0  }
0x55: {  	[tilespmem:$0x18620] =	vst v0  }
0x56: {  	[tilespmem:$0x18630] =	vst v0  }
0x57: {  	[tilespmem:$0x18640] =	vst v0  }
0x58: {  	[tilespmem:$0x18650] =	vst v0  }
0x59: {  	[tilespmem:$0x18660] =	vst v0  }
0x5a: {  	[tilespmem:$0x18670] =	vst v0  }
0x5b: {  	[tilespmem:$0x18680] =	vst v0  }
0x5c: {  	[tilespmem:$0x18690] =	vst v0  }
0x5d: {  	[tilespmem:$0x186A0] =	vst v0  }
0x5e: {  	[tilespmem:$0x186B0] =	vst v0  }
0x5f: {  	[tilespmem:$0x186C0] =	vst v0  }
0x60: {  	[tilespmem:$0x186D0] =	vst v0  }
0x61: {  	[tilespmem:$0x186E0] =	vst v0  }
0x62: {  	[tilespmem:$0x186F0] =	vst v0  }
0x63: {  	[tilespmem:$0x18700] =	vst v0  }
0x64: {  	[tilespmem:$0x18710] =	vst v0  }
0x65: {  	[tilespmem:$0x18720] =	vst v0  }
0x66: {  	[tilespmem:$0x18730] =	vst v0  }
0x67: {  	[tilespmem:$0x18740] =	vst v0  }
0x68: {  	[tilespmem:$0x18750] =	vst v0  }
0x69: {  	[tilespmem:$0x18760] =	vst v0  }
0x6a: {  	[tilespmem:$0x18770] =	vst v0  }
0x6b: {  	[tilespmem:$0x18780] =	vst v0  }
0x6c: {  	[tilespmem:$0x18790] =	vst v0  }
0x6d: {  	[tilespmem:$0x187A0] =	vst v0  }
0x6e: {  	[tilespmem:$0x187B0] =	vst v0  }
0x6f: {  	[tilespmem:$0x187C0] =	vst v0  }
0x70: {  	[tilespmem:$0x187D0] =	vst v0  }
0x71: {  	[tilespmem:$0x187E0] =	vst v0  }
0x72: {  	[tilespmem:$0x187F0] =	vst v0  }
0x73: {  	[tilespmem:$0x18800] =	vst v0  }
0x74: {  	[tilespmem:$0x18810] =	vst v0  }
0x75: {  	[tilespmem:$0x18820] =	vst v0  }
0x76: {  	[tilespmem:$0x18830] =	vst v0  }
0x77: {  	[tilespmem:$0x18840] =	vst v0  }
0x78: {  	[tilespmem:$0x18850] =	vst v0  }
0x79: {  	[tilespmem:$0x18860] =	vst v0  }
0x7a: {  	[tilespmem:$0x18870] =	vst v0  }
0x7b: {  	[tilespmem:$0x18880] =	vst v0  }
0x7c: {  	[tilespmem:$0x18890] =	vst v0  }
0x7d: {  	[tilespmem:$0x188A0] =	vst v0  }
0x7e: {  	[tilespmem:$0x188B0] =	vst v0  }
0x7f: {  	[tilespmem:$0x188C0] =	vst v0  }
0x80: {  	[tilespmem:$0x188D0] =	vst v0  }
0x81: {  	[tilespmem:$0x188E0] =	vst v0  }
0x82: {  	[tilespmem:$0x188F0] =	vst v0  }
0x83: {  	[tilespmem:$0x18900] =	vst v0  }
0x84: {  	[tilespmem:$0x18910] =	vst v0  }
0x85: {  	[tilespmem:$0x18920] =	vst v0  }
0x86: {  	[tilespmem:$0x18930] =	vst v0  }
0x87: {  	[tilespmem:$0x18940] =	vst v0  }
0x88: {  	[tilespmem:$0x18950] =	vst v0  }
0x89: {  	[tilespmem:$0x18960] =	vst v0  }
0x8a: {  	[tilespmem:$0x18970] =	vst v0  }
0x8b: {  	[tilespmem:$0x18980] =	vst v0  }
0x8c: {  	[tilespmem:$0x18990] =	vst v0  }
0x8d: {  	[tilespmem:$0x189A0] =	vst v0  }
0x8e: {  	[tilespmem:$0x189B0] =	vst v0  }
0x8f: {  	[tilespmem:$0x189C0] =	vst v0  }
0x90: {  	[tilespmem:$0x189D0] =	vst v0  }
0x91: {  	[tilespmem:$0x189E0] =	vst v0  }
0x92: {  	[tilespmem:$0x189F0] =	vst v0  }
0x93: {  	[tilespmem:$0x18A00] =	vst v0  }
0x94: {  	[tilespmem:$0x18A10] =	vst v0  }
0x95: {  	[tilespmem:$0x18A20] =	vst v0  }
0x96: {  	[tilespmem:$0x18A30] =	vst v0  }
0x97: {  	[tilespmem:$0x18A40] =	vst v0  }
0x98: {  	[tilespmem:$0x18A50] =	vst v0  }
0x99: {  	[tilespmem:$0x18A60] =	vst v0  }
0x9a: {  	[tilespmem:$0x18A70] =	vst v0  }
0x9b: {  	[tilespmem:$0x18A80] =	vst v0  }
0x9c: {  	[tilespmem:$0x18A90] =	vst v0  }
0x9d: {  	[tilespmem:$0x18AA0] =	vst v0  }
0x9e: {  	[tilespmem:$0x18AB0] =	vst v0  }
0x9f: {  	[tilespmem:$0x18AC0] =	vst v0  }
0xa0: {  	[tilespmem:$0x18AD0] =	vst v0  }
0xa1: {  	[tilespmem:$0x18AE0] =	vst v0  }
0xa2: {  	s31 =	simm.s32 $0x18300;
	[tilespmem:$0x18AF0] =	vst v0  }
0xa3: {  	[spmem:s8] =	stream.linear.scatter [tilespmem:s31], [sflag:$0x7], $0x800, $0x38;
	[tilespmem:$0x19300] =	vst v63  }
0xa4: {  	_ =	swait.ge [sflag:s21], $0x800  }
0xa5: {  	s0 =	sadd.s32 $0xFFFFFFC0, s13;
	[sflag:s21] =	ssyncset.done $0x0  }
0xa6: {  	p3 =	sgt.u32 s0, $0x3DD;
	[sflag:s21] =	ssyncadd.s32 $0xFFFFF800  }
0xa7: {  	s2 =	simm.s32 @!p3 $0x1;
	[bflag:$0x0] =	sbarrier.arrive $0xFFFF  }
0xa8: {  	_ =	swait.ge @!p3 [sflag:s2], $0x8000  }
0xa9: {  	[sflag:s2] =	ssyncset.done @!p3 $0x0  }
0xaa: {  	[sflag:s2] =	ssyncadd.s32 @!p3 $0xFFFF8000  }
0xab: {  	p2 =	por @!p3 $0x1, $0x1;
	_ =	swait.ge @!p3 [sflag:s2], $0x100  }
0xac: {  	p2 =	por p2, p3;
	[sflag:s2] =	ssyncset.done @!p3 $0x0  }
0xad: {  	s23 =	simm.s32 @!p2 $0x6;
	[sflag:s2] =	ssyncadd.s32 @!p3 $0xFFFFFF00  }
0xae: {  	_ =	swait.ge @!p2 [sflag:s23], $0x4000  }
0xaf: {  	[sflag:s23] =	ssyncset.done @!p2 $0x0  }
0xb0: {  	p4 =	sgt.u32 @!p3 s0, $0x39D;
	[sflag:s23] =	ssyncadd.s32 @!p2 $0xFFFFC000  }
0xb1: {  	p4 =	por p4, p3;
	_ =	swait.ge @!p2 [sflag:s23], $0x4000  }
0xb2: {  	s0 =	sadd.s32 @!p4 $0x0, s11;
	s24 =	simm.s32 @!p4 $0x10300;
	[sflag:s23] =	ssyncset.done @!p2 $0x0  }
0xb3: {  	s0 =	sadd.s32 @!p4 $0x40000, s0;
	s2 =	simm.s32 @!p4 $0x0;
	[sflag:s23] =	ssyncadd.s32 @!p2 $0xFFFFC000  }
0xb4: {  	[tilespmem:s24], [sflag:$0x3] =	stream.linear.gather @!p4 [hbm4b:s0+s2], $0x8000, $0x38;
	[tilespmem:$0x19300] =	vst v63  }
0xb5: {  	s0 =	simm.s32 @!p4 $0x200  }
0xb6: {  	[tilespmem:s0], [sflag:$0x3] =	stream.linear.gather @!p4 [hbm4b:s16+s2], $0x100, $0x38;
	[tilespmem:$0x19300] =	vst v63  }
0xb7: {  	s23 =	simm.s32 @!p3 $0x300;
	s0 =	sadd.s32 $0xFFFFFFE0, s13  }
0xb8: {  	s24 =	simm.s32 @!p3 $0x80;
	s2 =	simm.s32 @!p3 $0x0;
	p2 =	sgt.u32 s0, $0x3DD  }
0xb9: {  	[spmem:s1] =	stream.indirect.scatter.add.f32 @!p3 [tilespmem:s23], [sflag:$0x4], $0x80, s2, s24, $0xb8;
	[tilespmem:$0x19300] =	vst v63  }
0xba: {  	s2 =	simm.s32 @!p3 $0x4300;
	s23 =	simm.s32 @!p2 $0x2  }
0xbb: {  	[spmem:s1] =	stream.indirect.scatter.add.f32 @!p3 [tilespmem:s2], [sflag:$0x4], $0x80, s24, s24, $0xb8;
	[tilespmem:$0x19300] =	vst v63  }
0xbc: {  	_ =	swait.ge @!p2 [sflag:s23], $0x8000  }
0xbd: {  	[sflag:s23] =	ssyncset.done @!p2 $0x0  }
0xbe: {  	[sflag:s23] =	ssyncadd.s32 @!p2 $0xFFFF8000  }
0xbf: {  	_ =	swait.ge @!p2 [sflag:s23], $0x100  }
0xc0: {  	[sflag:s23] =	ssyncset.done @!p2 $0x0  }
0xc1: {  	s2 =	simm.s32 @!p2 $0x4;
	[sflag:s23] =	ssyncadd.s32 @!p2 $0xFFFFFF00  }
0xc2: {  	_ =	swait.ge @!p2 [sflag:s2], $0x4000  }
0xc3: {  	s29 =	simm.s32 $0xC0000;
	[sflag:s2] =	ssyncset.done @!p2 $0x0  }
0xc4: {  	s28 =	sadd.s32 $0xC00, s16;
	p3 =	sgt.u32 @!p2 s0, $0x39D;
	[sflag:s2] =	ssyncadd.s32 @!p2 $0xFFFFC000  }
0xc5: {  	s30 =	smov.u32 s14;
	p4 =	por p3, p2;
	_ =	swait.ge @!p2 [sflag:s2], $0x4000  }
0xc6: {  	s0 =	sadd.s32 @!p4 $0x0, s11;
	s24 =	simm.s32 @!p4 $0x300;
	[sflag:s2] =	ssyncset.done @!p2 $0x0  }
0xc7: {  	s25 =	simm.s32 @!p4 $0x0;
	s0 =	sadd.s32 @!p4 $0x60000, s0;
	[sflag:s2] =	ssyncadd.s32 @!p2 $0xFFFFC000  }
0xc8: {  	[tilespmem:s24], [sflag:$0x1] =	stream.linear.gather @!p4 [hbm4b:s0+s25], $0x8000, $0x38;
	[tilespmem:$0x19300] =	vst v63  }
0xc9: {  	s26 =	sadd.s32 $0xC00, s15;
	p3 =	sgt.u32 s13, $0x3DD;
	s23 =	simm.s32 $0x60000  }
0xca: {  	[tilespmem:s25], [sflag:$0x1] =	stream.linear.gather @!p4 [hbm4b:s15+s25], $0x100, $0x38;
	[tilespmem:$0x19300] =	vst v63  }
0xcb: {  	s0 =	simm.s32 @!p2 $0x8300;
	s24 =	simm.s32 @!p2 $0x80;
	s25 =	simm.s32 @!p2 $0x100  }
0xcc: {  	[spmem:s1] =	stream.indirect.scatter.add.f32 @!p2 [tilespmem:s0], [sflag:$0x5], $0x80, s25, s24, $0xb8;
	[tilespmem:$0x19300] =	vst v63  }
0xcd: {  	p4 =	sgt.u32 @!p3 s13, $0x39D;
	s0 =	simm.s32 @!p2 $0x180;
	s25 =	simm.s32 @!p2 $0xC300  }
0xce: {  	[spmem:s1] =	stream.indirect.scatter.add.f32 @!p2 [tilespmem:s25], [sflag:$0x5], $0x80, s0, s24, $0xb8;
	[tilespmem:$0x19300] =	vst v63  }
0xcf: {  	s2 =	simm.s32 @!p3 $0x3;
	p4 =	por p4, p3;
	s25 =	sadd.s32 $0x60, s13  }
0xd0: {  	s0 =	sadd.s32 @!p4 $0x0, s11;
	s24 =	smov.u32 s14;
	_ =	swait.ge @!p3 [sflag:s2], $0x8000  }
.LBB2_2:
0xd1: {  	[sflag:s2] =	ssyncset.done @!p3 $0x0;
	s24 =	sadd.s32 $0xC00, s24  }
0xd2: {  	s31 =	smov.u32 s23;
	s23 =	smov.u32 s29;
	s29 =	sadd.s32 $0x60000, s29  }
0xd3: {  	p2 =	sne.s32 s29, $0x420000;
	[sflag:s2] =	ssyncadd.s32 @!p3 $0xFFFF8000  }
0xd4: {  	_ =	swait.ge @!p3 [sflag:s2], $0x100  }
0xd5: {  	[sflag:s2] =	ssyncset.done @!p3 $0x0  }
0xd6: {  	s17 =	sadd.s32 $0xFFFFFFC0, s25;
	[sflag:s2] =	ssyncadd.s32 @!p3 $0xFFFFFF00;
	s2 =	simm.s32 @!p3 $0x5  }
0xd7: {  	_ =	swait.ge @!p3 [sflag:s2], $0x4000  }
0xd8: {  	[sflag:s2] =	ssyncset.done @!p3 $0x0  }
0xd9: {  	s18 =	simm.s32 @!p3 $0x10300;
	s19 =	simm.s32 @!p3 $0x14300;
	[sflag:s2] =	ssyncadd.s32 @!p3 $0xFFFFC000  }
0xda: {  	s20 =	simm.s32 @!p3 $0x80;
	s4 =	simm.s32 @!p3 $0x200;
	_ =	swait.ge @!p3 [sflag:s2], $0x4000  }
0xdb: {  	s5 =	simm.s32 @!p4 $0x0;
	s6 =	simm.s32 @!p4 $0x8300;
	[sflag:s2] =	ssyncset.done @!p3 $0x0  }
0xdc: {  	s0 =	sadd.s32 @!p4 $0x80000, s0;
	p5 =	sgt.u32 s17, $0x3DD;
	[sflag:s2] =	ssyncadd.s32 @!p3 $0xFFFFC000  }
0xdd: {  	[tilespmem:s6], [sflag:$0x2] =	stream.linear.gather @!p4 [hbm4b:s0+s5], $0x8000, $0x38;
	[tilespmem:$0x19300] =	vst v63  }
0xde: {  	p6 =	seq.s32 @!p5 s31, $0x0;
	p0 =	sgt.u32 @!p5 s17, $0x39D;
	s0 =	simm.s32 @!p4 $0x100  }
0xdf: {  	[tilespmem:s0], [sflag:$0x2] =	stream.linear.gather @!p4 [hbm4b:s30+s5], $0x100, $0x38;
	[tilespmem:$0x19300] =	vst v63  }
0xe0: {  	p6 =	por p6, p5;
	s0 =	simm.s32 @!p5 $0x1;
	p4 =	por p0, p5  }
0xe1: {  	[spmem:s1] =	stream.indirect.scatter.add.f32 @!p3 [tilespmem:s18], [sflag:$0x6], $0x80, s4, s20, $0xb8;
	[tilespmem:$0x19300] =	vst v63  }
0xe2: {  	s2 =	simm.s32 @!p6 $0x6;
	s5 =	simm.s32 @!p3 $0x280;
	s4 =	sadd.s32 @!p4 s31, s11  }
0xe3: {  	[spmem:s1] =	stream.indirect.scatter.add.f32 @!p3 [tilespmem:s19], [sflag:$0x6], $0x80, s5, s20, $0xb8;
	[tilespmem:$0x19300] =	vst v63  }
0xe4: {  	s30 =	smov.u32 s24;
	s4 =	sadd.s32 @!p4 $0x40000, s4;
	_ =	swait.ge @!p5 [sflag:s0], $0x8000  }
0xe5: {  	[sflag:s0] =	ssyncset.done @!p5 $0x0  }
0xe6: {  	[sflag:s0] =	ssyncadd.s32 @!p5 $0xFFFF8000  }
0xe7: {  	_ =	swait.ge @!p5 [sflag:s0], $0x100  }
0xe8: {  	[sflag:s0] =	ssyncset.done @!p5 $0x0  }
0xe9: {  	[sflag:s0] =	ssyncadd.s32 @!p5 $0xFFFFFF00  }
0xea: {  	_ =	swait.ge @!p6 [sflag:s2], $0x4000  }
0xeb: {  	[sflag:s2] =	ssyncset.done @!p6 $0x0  }
0xec: {  	[sflag:s2] =	ssyncadd.s32 @!p6 $0xFFFFC000  }
0xed: {  	s5 =	simm.s32 @!p4 $0x10300;
	s0 =	simm.s32 @!p4 $0x0;
	_ =	swait.ge @!p6 [sflag:s2], $0x4000  }
0xee: {  	[sflag:s2] =	ssyncset.done @!p6 $0x0  }
0xef: {  	[sflag:s2] =	ssyncadd.s32 @!p6 $0xFFFFC000  }
0xf0: {  	[tilespmem:s5], [sflag:$0x3] =	stream.linear.gather @!p4 [hbm4b:s4+s0], $0x8000, $0x38;
	[tilespmem:$0x19300] =	vst v63  }
0xf1: {  	s2 =	simm.s32 @!p4 $0x200;
	s4 =	sadd.s32 $0xFFFFFFE0, s25  }
0xf2: {  	[tilespmem:s2], [sflag:$0x3] =	stream.linear.gather @!p4 [hbm4b:s28+s0], $0x100, $0x38;
	[tilespmem:$0x19300] =	vst v63  }
0xf3: {  	p6 =	sgt.u32 s4, $0x3DD;
	s0 =	simm.s32 @!p5 $0x0;
	s2 =	simm.s32 @!p5 $0x300  }
0xf4: {  	s6 =	simm.s32 @!p5 $0x4300;
	s5 =	simm.s32 @!p5 $0x80;
	s17 =	simm.s32 @!p6 $0x2  }
0xf5: {  	[spmem:s1] =	stream.indirect.scatter.add.f32 @!p5 [tilespmem:s2], [sflag:$0x4], $0x80, s0, s5, $0xb8;
	[tilespmem:$0x19300] =	vst v63  }
0xf6: {  	p3 =	sgt.u32 @!p6 s4, $0x39D  }
0xf7: {  	[spmem:s1] =	stream.indirect.scatter.add.f32 @!p5 [tilespmem:s6], [sflag:$0x4], $0x80, s5, s5, $0xb8;
	[tilespmem:$0x19300] =	vst v63  }
0xf8: {  	_ =	swait.ge @!p6 [sflag:s17], $0x8000  }
0xf9: {  	[sflag:s17] =	ssyncset.done @!p6 $0x0  }
0xfa: {  	[sflag:s17] =	ssyncadd.s32 @!p6 $0xFFFF8000  }
0xfb: {  	s0 =	simm.s32 @!p6 $0x4;
	_ =	swait.ge @!p6 [sflag:s17], $0x100  }
0xfc: {  	[sflag:s17] =	ssyncset.done @!p6 $0x0  }
0xfd: {  	[sflag:s17] =	ssyncadd.s32 @!p6 $0xFFFFFF00  }
0xfe: {  	_ =	swait.ge @!p6 [sflag:s0], $0x4000  }
0xff: {  	p4 =	por p3, p6;
	[sflag:s0] =	ssyncset.done @!p6 $0x0  }
0x100: {  	s4 =	simm.s32 @!p4 $0x300;
	s2 =	sadd.s32 @!p4 s31, s11;
	[sflag:s0] =	ssyncadd.s32 @!p6 $0xFFFFC000  }
0x101: {  	s2 =	sadd.s32 @!p4 $0x60000, s2;
	s5 =	simm.s32 @!p4 $0x0;
	_ =	swait.ge @!p6 [sflag:s0], $0x4000  }
0x102: {  	p3 =	sgt.u32 s25, $0x3DD;
	[sflag:s0] =	ssyncset.done @!p6 $0x0  }
0x103: {  	p0 =	sgt.u32 @!p3 s25, $0x39D;
	[sflag:s0] =	ssyncadd.s32 @!p6 $0xFFFFC000;
	s0 =	simm.s32 @!p6 $0x8300  }
0x104: {  	[tilespmem:s4], [sflag:$0x1] =	stream.linear.gather @!p4 [hbm4b:s2+s5], $0x8000, $0x38;
	[tilespmem:$0x19300] =	vst v63  }
0x105: {  	s6 =	simm.s32 @!p6 $0x100;
	s4 =	simm.s32 @!p6 $0x80;
	s2 =	simm.s32 @!p3 $0x3  }
0x106: {  	[tilespmem:s5], [sflag:$0x1] =	stream.linear.gather @!p4 [hbm4b:s26+s5], $0x100, $0x38;
	[tilespmem:$0x19300] =	vst v63  }
.Ltmp0:
0x107: {  	s17 =	simm.s32 @!p6 $0xC300;
	s5 =	simm.s32 @!p6 $0x180;
	(pc) =	sbr.rel @p2 .LBB2_2-.Ltmp0, $4  }
0x108: {  	[spmem:s1] =	stream.indirect.scatter.add.f32 @!p6 [tilespmem:s0], [sflag:$0x5], $0x80, s6, s4, $0xb8;
	[tilespmem:$0x19300] =	vst v63  }
0x109: {  	s28 =	sadd.s32 $0xC00, s28;
	s25 =	sadd.s32 $0x60, s25;
	p4 =	por p0, p3  }
0x10a: {  	[spmem:s1] =	stream.indirect.scatter.add.f32 @!p6 [tilespmem:s17], [sflag:$0x5], $0x80, s5, s4, $0xb8;
	[tilespmem:$0x19300] =	vst v63  }
0x10b: {  	s26 =	sadd.s32 $0xC00, s26;
	s0 =	sadd.s32 @!p4 s31, s11;
	_ =	swait.ge @!p3 [sflag:s2], $0x8000  }
0x10c: {  	[sflag:s2] =	ssyncset.done @!p3 $0x0  }
0x10d: {  	[sflag:s2] =	ssyncadd.s32 @!p3 $0xFFFF8000  }
0x10e: {  	_ =	swait.ge @!p3 [sflag:s2], $0x100  }
0x10f: {  	[sflag:s2] =	ssyncset.done @!p3 $0x0  }
0x110: {  	[sflag:s2] =	ssyncadd.s32 @!p3 $0xFFFFFF00;
	s2 =	simm.s32 @!p3 $0x5  }
0x111: {  	_ =	swait.ge @!p3 [sflag:s2], $0x4000  }
0x112: {  	[sflag:s2] =	ssyncset.done @!p3 $0x0  }
0x113: {  	[sflag:s2] =	ssyncadd.s32 @!p3 $0xFFFFC000  }
0x114: {  	_ =	swait.ge @!p3 [sflag:s2], $0x4000  }
0x115: {  	s4 =	simm.s32 @!p4 $0x0;
	[sflag:s2] =	ssyncset.done @!p3 $0x0  }
0x116: {  	s5 =	simm.s32 @!p4 $0x8300;
	s0 =	sadd.s32 @!p4 $0x80000, s0;
	[sflag:s2] =	ssyncadd.s32 @!p3 $0xFFFFC000  }
0x117: {  	[tilespmem:s5], [sflag:$0x2] =	stream.linear.gather @!p4 [hbm4b:s0+s4], $0x8000, $0x38;
	[tilespmem:$0x19300] =	vst v63  }
0x118: {  	s2 =	simm.s32 @!p3 $0x10300;
	s0 =	sadd.s32 $0xFFFFFFC0, s25;
	s5 =	simm.s32 @!p4 $0x100  }
0x119: {  	[tilespmem:s5], [sflag:$0x2] =	stream.linear.gather @!p4 [hbm4b:s30+s4], $0x100, $0x38;
	[tilespmem:$0x19300] =	vst v63  }
0x11a: {  	p2 =	sgt.u32 s0, $0x3DD;
	s4 =	simm.s32 @!p3 $0x80;
	s5 =	simm.s32 @!p3 $0x200  }
0x11b: {  	[spmem:s1] =	stream.indirect.scatter.add.f32 @!p3 [tilespmem:s2], [sflag:$0x6], $0x80, s5, s4, $0xb8;
	[tilespmem:$0x19300] =	vst v63  }
0x11c: {  	s6 =	simm.s32 @!p3 $0x280;
	s2 =	simm.s32 @!p3 $0x14300;
	s5 =	simm.s32 @!p2 $0x1  }
0x11d: {  	[spmem:s1] =	stream.indirect.scatter.add.f32 @!p3 [tilespmem:s2], [sflag:$0x6], $0x80, s6, s4, $0xb8;
	[tilespmem:$0x19300] =	vst v63  }
0x11e: {  	_ =	swait.ge @!p2 [sflag:s5], $0x8000  }
0x11f: {  	[sflag:s5] =	ssyncset.done @!p2 $0x0  }
0x120: {  	[sflag:s5] =	ssyncadd.s32 @!p2 $0xFFFF8000  }
0x121: {  	p0 =	seq.s32 @!p2 s23, $0x0;
	_ =	swait.ge @!p2 [sflag:s5], $0x100  }
0x122: {  	p3 =	por p0, p2;
	[sflag:s5] =	ssyncset.done @!p2 $0x0  }
0x123: {  	s2 =	simm.s32 @!p3 $0x6;
	[sflag:s5] =	ssyncadd.s32 @!p2 $0xFFFFFF00  }
0x124: {  	_ =	swait.ge @!p3 [sflag:s2], $0x4000  }
0x125: {  	[sflag:s2] =	ssyncset.done @!p3 $0x0  }
0x126: {  	p0 =	sgt.u32 @!p2 s0, $0x39D;
	[sflag:s2] =	ssyncadd.s32 @!p3 $0xFFFFC000  }
0x127: {  	p0 =	por p0, p2;
	_ =	swait.ge @!p3 [sflag:s2], $0x4000  }
0x128: {  	s0 =	sadd.s32 @!p0 s23, s11;
	s4 =	simm.s32 @!p0 $0x0;
	[sflag:s2] =	ssyncset.done @!p3 $0x0  }
0x129: {  	s0 =	sadd.s32 @!p0 $0x40000, s0;
	s5 =	simm.s32 @!p0 $0x10300;
	[sflag:s2] =	ssyncadd.s32 @!p3 $0xFFFFC000  }
0x12a: {  	[tilespmem:s5], [sflag:$0x3] =	stream.linear.gather @!p0 [hbm4b:s0+s4], $0x8000, $0x38;
	[tilespmem:$0x19300] =	vst v63  }
0x12b: {  	s0 =	simm.s32 @!p0 $0x200  }
0x12c: {  	[tilespmem:s0], [sflag:$0x3] =	stream.linear.gather @!p0 [hbm4b:s28+s4], $0x100, $0x38;
	[tilespmem:$0x19300] =	vst v63  }
0x12d: {  	s2 =	simm.s32 @!p2 $0x0;
	s0 =	sadd.s32 $0xFFFFFFE0, s25  }
0x12e: {  	s5 =	simm.s32 @!p2 $0x80;
	s4 =	simm.s32 @!p2 $0x300;
	p3 =	sgt.u32 s0, $0x3DD  }
0x12f: {  	[spmem:s1] =	stream.indirect.scatter.add.f32 @!p2 [tilespmem:s4], [sflag:$0x4], $0x80, s2, s5, $0xb8;
	[tilespmem:$0x19300] =	vst v63  }
0x130: {  	s2 =	simm.s32 @!p2 $0x4300;
	s4 =	simm.s32 @!p3 $0x2  }
0x131: {  	[spmem:s1] =	stream.indirect.scatter.add.f32 @!p2 [tilespmem:s2], [sflag:$0x4], $0x80, s5, s5, $0xb8;
	[tilespmem:$0x19300] =	vst v63  }
0x132: {  	_ =	swait.ge @!p3 [sflag:s4], $0x8000  }
0x133: {  	[sflag:s4] =	ssyncset.done @!p3 $0x0  }
0x134: {  	[sflag:s4] =	ssyncadd.s32 @!p3 $0xFFFF8000  }
0x135: {  	_ =	swait.ge @!p3 [sflag:s4], $0x100  }
0x136: {  	[sflag:s4] =	ssyncset.done @!p3 $0x0  }
0x137: {  	s2 =	simm.s32 @!p3 $0x4;
	[sflag:s4] =	ssyncadd.s32 @!p3 $0xFFFFFF00  }
0x138: {  	_ =	swait.ge @!p3 [sflag:s2], $0x4000  }
0x139: {  	[sflag:s2] =	ssyncset.done @!p3 $0x0  }
0x13a: {  	p0 =	sgt.u32 @!p3 s0, $0x39D;
	[sflag:s2] =	ssyncadd.s32 @!p3 $0xFFFFC000  }
0x13b: {  	p0 =	por p0, p3;
	_ =	swait.ge @!p3 [sflag:s2], $0x4000  }
0x13c: {  	s0 =	sadd.s32 @!p0 s23, s11;
	s5 =	simm.s32 @!p0 $0x0;
	[sflag:s2] =	ssyncset.done @!p3 $0x0  }
0x13d: {  	s0 =	sadd.s32 @!p0 $0x60000, s0;
	s4 =	simm.s32 @!p0 $0x300;
	[sflag:s2] =	ssyncadd.s32 @!p3 $0xFFFFC000  }
0x13e: {  	[tilespmem:s4], [sflag:$0x1] =	stream.linear.gather @!p0 [hbm4b:s0+s5], $0x8000, $0x38;
	[tilespmem:$0x19300] =	vst v63  }
0x13f: {  	p2 =	sgt.u32 s25, $0x3DD  }
0x140: {  	[tilespmem:s5], [sflag:$0x1] =	stream.linear.gather @!p0 [hbm4b:s26+s5], $0x100, $0x38;
	[tilespmem:$0x19300] =	vst v63  }
0x141: {  	s2 =	simm.s32 @!p3 $0x80;
	s0 =	simm.s32 @!p3 $0x8300;
	s4 =	simm.s32 @!p3 $0x100  }
0x142: {  	[spmem:s1] =	stream.indirect.scatter.add.f32 @!p3 [tilespmem:s0], [sflag:$0x5], $0x80, s4, s2, $0xb8;
	[tilespmem:$0x19300] =	vst v63  }
0x143: {  	s5 =	simm.s32 @!p3 $0xC300;
	s0 =	simm.s32 @!p2 $0x3;
	s4 =	simm.s32 @!p3 $0x180  }
0x144: {  	[spmem:s1] =	stream.indirect.scatter.add.f32 @!p3 [tilespmem:s5], [sflag:$0x5], $0x80, s4, s2, $0xb8;
	[tilespmem:$0x19300] =	vst v63  }
0x145: {  	_ =	swait.ge @!p2 [sflag:s0], $0x8000  }
0x146: {  	[sflag:s0] =	ssyncset.done @!p2 $0x0  }
0x147: {  	[sflag:s0] =	ssyncadd.s32 @!p2 $0xFFFF8000  }
0x148: {  	_ =	swait.ge @!p2 [sflag:s0], $0x100  }
0x149: {  	[sflag:s0] =	ssyncset.done @!p2 $0x0  }
0x14a: {  	[sflag:s0] =	ssyncadd.s32 @!p2 $0xFFFFFF00;
	s0 =	simm.s32 @!p2 $0x5  }
0x14b: {  	_ =	swait.ge @!p2 [sflag:s0], $0x4000  }
0x14c: {  	[sflag:s0] =	ssyncset.done @!p2 $0x0  }
0x14d: {  	p0 =	sgt.u32 @!p2 s25, $0x39D;
	[sflag:s0] =	ssyncadd.s32 @!p2 $0xFFFFC000  }
0x14e: {  	p0 =	por p0, p2;
	_ =	swait.ge @!p2 [sflag:s0], $0x4000  }
0x14f: {  	s2 =	sadd.s32 @!p0 s23, s11;
	s4 =	simm.s32 @!p0 $0x0;
	[sflag:s0] =	ssyncset.done @!p2 $0x0  }
0x150: {  	s5 =	simm.s32 @!p0 $0x8300;
	[sflag:s0] =	ssyncadd.s32 @!p2 $0xFFFFC000;
	s0 =	sadd.s32 @!p0 $0x80000, s2  }
0x151: {  	[tilespmem:s5], [sflag:$0x2] =	stream.linear.gather @!p0 [hbm4b:s0+s4], $0x8000, $0x38;
	[tilespmem:$0x19300] =	vst v63  }
0x152: {  	s2 =	simm.s32 @!p0 $0x100;
	s0 =	sadd.s32 $0xC00, s24  }
0x153: {  	[tilespmem:s2], [sflag:$0x2] =	stream.linear.gather @!p0 [hbm4b:s0+s4], $0x100, $0x38;
	[tilespmem:$0x19300] =	vst v63  }
0x154: {  	s0 =	simm.s32 @!p2 $0x10300;
	s2 =	simm.s32 @!p2 $0x80;
	s4 =	simm.s32 @!p2 $0x200  }
0x155: {  	[spmem:s1] =	stream.indirect.scatter.add.f32 @!p2 [tilespmem:s0], [sflag:$0x6], $0x80, s4, s2, $0xb8;
	[tilespmem:$0x19300] =	vst v63  }
0x156: {  	s29 =	sld [smem:$0x7FD];
	s0 =	simm.s32 @!p2 $0x14300;
	s4 =	simm.s32 @!p2 $0x280  }
0x157: {  	[spmem:s1] =	stream.indirect.scatter.add.f32 @!p2 [tilespmem:s0], [sflag:$0x6], $0x80, s4, s2, $0xb8;
	[tilespmem:$0x19300] =	vst v63  }
0x158: {  	s0 =	simm.s32 @!p1 $0x6  }
0x159: {  	p0 =	seq.s32 s29, $0x1;
	s0 =	simm.s32 @p1 $0x5  }
0x15a: {  	s0 =	simm.s32 @p0 $0x4  }
0x15b: {  	_ =	swait.ge [sflag:s0], $0x4000  }
0x15c: {  	[sflag:s0] =	ssyncset.done $0x0  }
0x15d: {  	[sflag:s0] =	ssyncadd.s32 $0xFFFFC000  }
0x15e: {  	_ =	swait.ge [sflag:s0], $0x4000  }
0x15f: {  	s22 =	sadd.s32 $0x1, s22;
	[sflag:s0] =	ssyncset.done $0x0  }
0x160: {  	s31 =	sshrl.u32 s8, $0x3;
	p0 =	sne.s32 s22, s10;
	[sflag:s0] =	ssyncadd.s32 $0xFFFFC000  }
.Ltmp1:
0x161: {  	s30 =	sor.u32 $0x1C07, s12;
	[bflag:$0x0] =	sbarrier.arrive $0xFFFF;
	(pc) =	sbr.rel @p0 .LBB2_1-.Ltmp1, $4  }
0x162: {  	[hbm:s9], [sflag:s30] =	dma.local [spmem:s31], $0x100  }
0x163: {  	_ =	swait.ge [sflag:s21], $0x100  }
0x164: {  	[sflag:s21] =	ssyncset.done $0x0  }
0x165: {  	[sflag:s21] =	ssyncadd.s32 $0xFFFFFF00  }
0x166: {  	_ =	sfence.sel $0x180000  }
0x167: {  	[bflag:$0x0] =	sbarrier.arrive $0xFFFF  }
0x168: {  	_ =	strace $0x90000047  }
0x169: {  	s0 =	stileid.u32;
	[bflag:$0x2] =	sbarrier.arrive $0xFFFF  }
0x16a: {  	p0 =	sne.s32 s0, $0x0;
	s0 =	rddreg [dreg:$0x3]  }
0x16b: {  	s0 =	sadd.s32 @!p0 $0x100000, s0  }
0x16c: {  	[sflag:s0] =	ssyncadd.tile.s32 @!p0 $0x1;
	_ =	shalt  }
.Lfunc_end2:
_tile_overlayer_lowered:
.L_overlay_start_2:
0x16d: {  	(tag) =	ssettag $0x2  }
0x16e: {  	s0 =	rddreg [dreg:$0x0];
	s2 =	stileid.u32  }
0x16f: {  	s1 =	rddreg [dreg:$0x1];
	p0 =	sne.s32 s2, $0x0  }
0x170: {  	s3 =	rddreg [dreg:$0x2];
	[bflag:$0x3] =	sbarrier.arrive $0xFFFF;
	s2 =	simm.s32 @!p0 $0x1C07  }
0x171: {  	[timem:s3], [sflag:s2] =	dma.local @!p0 [hbm:s0], s1  }
0x172: {  	s0 =	simm.s32 @!p0 $0x7  }
0x173: {  	_ =	swait.ge @!p0 [sflag:s0], s1  }
0x174: {  	s1 =	ssub.s32 @!p0 $0x0, s1;
	[sflag:s0] =	ssyncset.done @!p0 $0x0  }
0x175: {  	[sflag:s0] =	ssyncadd.s32 @!p0 s1  }
0x176: {  	[bflag:$0x3] =	sbarrier.arrive $0xFFFF  }
0x177: {  	_ =	shalt  }

</sc_bundles>
